<compile_context>
chip_gen: v7x
topology: tpu7x:2x2x1
jax: 0.10.2.dev20260603
libtpu: 0.0.44.dev20260713+nightly
codegen_flags: <defaults>
</compile_context>

<pallas_src>
import functools

import jax
import jax.numpy as jnp
from jax import lax
from jax.experimental import pallas as pl
from jax.experimental.pallas import tpu as pltpu
from jax.experimental.pallas import tpu_sc as plsc

N_NODES = 10000
N_EDGES = 320000
IN_F = 128
H_F = 32
NC = 2
NS = 16
NW = NC * NS
EPW = N_EDGES // NW
K = 80
CHUNKS = EPW // K
NPAD = 10240
RPT = NPAD // NS
GRT = N_NODES // NS
BR = 1000



@functools.cache
def _sc_mesh():
    return plsc.VectorSubcoreMesh(core_axis_name="c", subcore_axis_name="s")


@functools.cache
def _sc_deg():

    @functools.partial(
        pl.kernel,
        out_type=jax.ShapeDtypeStruct((NC, NPAD, 8), jnp.float32),
        mesh=_sc_mesh(),
        scratch_types=[
            pltpu.VMEM_SHARED((NPAD, 8), jnp.float32),
            pltpu.VMEM((CHUNKS, K), jnp.int32),
            pltpu.VMEM((K, 8), jnp.float32),
        ],
        compiler_params=pltpu.CompilerParams(use_tc_tiling_on_sc=False),
    )
    def deg_kernel(dst_hbm, ones_hbm, zeros_hbm, out_hbm, acc, dst_v, ones_v):
        c = lax.axis_index("c")
        s = lax.axis_index("s")
        w = c * NS + s
        pltpu.sync_copy(zeros_hbm.at[pl.ds(s * RPT, RPT)],
                        acc.at[pl.ds(s * RPT, RPT)])
        pltpu.sync_copy(dst_hbm.at[w], dst_v)
        pltpu.sync_copy(ones_hbm, ones_v)
        plsc.subcore_barrier()

        def body(j, carry):
            pltpu.sync_copy(ones_v, acc.at[dst_v.at[j]], add=True)
            return carry

        lax.fori_loop(0, CHUNKS, body, 0)
        plsc.subcore_barrier()
        pltpu.sync_copy(acc.at[pl.ds(s * RPT, RPT)],
                        out_hbm.at[c, pl.ds(s * RPT, RPT)])

    return deg_kernel


@functools.cache
def _sc_lap():

    @functools.partial(
        pl.kernel,
        out_type=jax.ShapeDtypeStruct((NC, NPAD, H_F), jnp.float32),
        mesh=_sc_mesh(),
        scratch_types=[
            pltpu.VMEM_SHARED((NPAD, H_F), jnp.float32),
            pltpu.VMEM_SHARED((N_NODES, H_F), jnp.float32),
            pltpu.VMEM((CHUNKS, K), jnp.int32),
            pltpu.VMEM((CHUNKS, K), jnp.int32),
            pltpu.VMEM((K, H_F), jnp.float32),
            pltpu.VMEM((K, H_F), jnp.float32),
            pltpu.VMEM((K, H_F), jnp.float32),
            pltpu.VMEM((K, H_F), jnp.float32),
            pltpu.SemaphoreType.DMA,
            pltpu.SemaphoreType.DMA,
            pltpu.SemaphoreType.DMA,
            pltpu.SemaphoreType.DMA,
            pltpu.SemaphoreType.DMA,
            pltpu.SemaphoreType.DMA,
            pltpu.SemaphoreType.DMA,
            pltpu.SemaphoreType.DMA,
        ],
        compiler_params=pltpu.CompilerParams(use_tc_tiling_on_sc=False),
    )
    def lap_kernel(g_hbm, src_hbm, dst_hbm, zeros_hbm, out_hbm,
                   acc, g_sp, src_v, dst_v, r0, r1, r2, r3,
                   sg0, sg1, sg2, sg3, ss0, ss1, ss2, ss3):
        c = lax.axis_index("c")
        s = lax.axis_index("s")
        w = c * NS + s
        pltpu.sync_copy(zeros_hbm.at[pl.ds(s * RPT, RPT)],
                        acc.at[pl.ds(s * RPT, RPT)])
        pltpu.sync_copy(g_hbm.at[pl.ds(s * GRT, GRT)],
                        g_sp.at[pl.ds(s * GRT, GRT)])
        pltpu.sync_copy(src_hbm.at[w], src_v)
        pltpu.sync_copy(dst_hbm.at[w], dst_v)
        plsc.subcore_barrier()

        bufs = [r0, r1, r2, r3]
        sgs = [sg0, sg1, sg2, sg3]
        sss = [ss0, ss1, ss2, ss3]

        def gath(j, b):
            pltpu.async_copy(g_sp.at[src_v.at[j]], bufs[b], sgs[b])

        def gath_wait(j, b):
            pltpu.make_async_copy(g_sp.at[src_v.at[j]], bufs[b], sgs[b]).wait()

        def scat(j, b):
            pltpu.async_copy(bufs[b], acc.at[dst_v.at[j]], sss[b], add=True)

        def scat_wait(j, b):
            pltpu.make_async_copy(bufs[b], acc.at[dst_v.at[j]], sss[b]).wait()

        gath(0, 0)
        gath(1, 1)
        gath_wait(0, 0)
        scat(0, 0)
        gath(2, 2)
        gath_wait(1, 1)
        scat(1, 1)
        gath(3, 3)

        def body(i, carry):
            j0 = 2 + 4 * i
            for t in range(4):
                j = j0 + t
                b = (2 + t) % 4
                bn = (b + 2) % 4
                gath_wait(j, b)
                scat(j, b)
                scat_wait(j - 2, bn)
                gath(j + 2, bn)
            return carry

        lax.fori_loop(0, (CHUNKS - 5) // 4, body, 0)
        gath_wait(122, 2)
        scat(122, 2)
        scat_wait(120, 0)
        gath(124, 0)
        gath_wait(123, 3)
        scat(123, 3)
        scat_wait(121, 1)
        gath_wait(124, 0)
        scat(124, 0)
        scat_wait(122, 2)
        scat_wait(123, 3)
        scat_wait(124, 0)
        plsc.subcore_barrier()
        pltpu.sync_copy(acc.at[pl.ds(s * RPT, RPT)],
                        out_hbm.at[c, pl.ds(s * RPT, RPT)])

    return lap_kernel



def _dinv_from(deg_ref):
    deg = deg_ref[0] + deg_ref[1]
    return lax.rsqrt(jnp.maximum(deg[:, 0:1], 1.0))


def _bdot(a, b):
    return jnp.dot(a.astype(jnp.bfloat16), b.astype(jnp.bfloat16),
                   preferred_element_type=jnp.float32)


def _tc_mm_body(x_ref, w1_ref, b1_ref, w2_ref, b2_ref, h_ref):
    h1 = jnp.maximum(_bdot(x_ref[...], w1_ref[...]) + b1_ref[...], 0.0)
    h_ref[...] = jnp.maximum(_bdot(h1, w2_ref[...]) + b2_ref[...], 0.0)


def _tc_mm(x, W1, b1, W2, b2):
    grid = N_NODES // BR
    return pl.pallas_call(
        _tc_mm_body,
        grid=(grid,),
        in_specs=[
            pl.BlockSpec((BR, IN_F), lambda i: (i, 0)),
            pl.BlockSpec((IN_F, H_F), lambda i: (0, 0)),
            pl.BlockSpec((1, H_F), lambda i: (0, 0)),
            pl.BlockSpec((H_F, H_F), lambda i: (0, 0)),
            pl.BlockSpec((1, H_F), lambda i: (0, 0)),
        ],
        out_specs=pl.BlockSpec((BR, H_F), lambda i: (i, 0)),
        out_shape=jax.ShapeDtypeStruct((N_NODES, H_F), jnp.float32),
    )(x, W1, b1, W2, b2)


def _tc_norm_body(h_ref, deg_ref, g_ref):
    g_ref[...] = h_ref[...] * _dinv_from(deg_ref)


def _tc_norm(h, deg_parts):
    grid = N_NODES // BR
    return pl.pallas_call(
        _tc_norm_body,
        grid=(grid,),
        in_specs=[
            pl.BlockSpec((BR, H_F), lambda i: (i, 0)),
            pl.BlockSpec((NC, BR, 8), lambda i: (0, i, 0)),
        ],
        out_specs=pl.BlockSpec((BR, H_F), lambda i: (i, 0)),
        out_shape=jax.ShapeDtypeStruct((N_NODES, H_F), jnp.float32),
    )(h, deg_parts)


def _tc_mid_body(h_ref, agg_ref, deg_ref, f_ref, g2_ref):
    dinv = _dinv_from(deg_ref)
    f = h_ref[...] - (agg_ref[0] + agg_ref[1]) * dinv
    f_ref[...] = f
    g2_ref[...] = f * dinv


def _tc_mid(h, agg_parts, deg_parts):
    grid = N_NODES // BR
    return pl.pallas_call(
        _tc_mid_body,
        grid=(grid,),
        in_specs=[
            pl.BlockSpec((BR, H_F), lambda i: (i, 0)),
            pl.BlockSpec((NC, BR, H_F), lambda i: (0, i, 0)),
            pl.BlockSpec((NC, BR, 8), lambda i: (0, i, 0)),
        ],
        out_specs=[
            pl.BlockSpec((BR, H_F), lambda i: (i, 0)),
            pl.BlockSpec((BR, H_F), lambda i: (i, 0)),
        ],
        out_shape=[
            jax.ShapeDtypeStruct((N_NODES, H_F), jnp.float32),
            jax.ShapeDtypeStruct((N_NODES, H_F), jnp.float32),
        ],
    )(h, agg_parts, deg_parts)


def _tc_post_body(h_ref, f1_ref, agg_ref, deg_ref, wm1_ref, bm1_ref,
                  wm2_ref, bm2_ref, out_ref):
    dinv = _dinv_from(deg_ref)
    h = h_ref[...]
    f1 = f1_ref[...]
    f2 = f1 - (agg_ref[0] + agg_ref[1]) * dinv
    out0 = 3.0 * h + (-3.0) * f1 + 0.75 * f2
    out1 = 3.0 * f1 + (-1.5) * f2
    out2 = 0.75 * f2
    hf = jnp.concatenate([out0, out1, out2], axis=1)
    hm = jnp.maximum(_bdot(hf, wm1_ref[...]) + bm1_ref[...], 0.0)
    out_ref[...] = _bdot(hm, wm2_ref[...]) + bm2_ref[...]


def _tc_post(h, f1, agg_parts, deg_parts, Wm1, bm1, Wm2, bm2):
    grid = N_NODES // BR
    return pl.pallas_call(
        _tc_post_body,
        grid=(grid,),
        in_specs=[
            pl.BlockSpec((BR, H_F), lambda i: (i, 0)),
            pl.BlockSpec((BR, H_F), lambda i: (i, 0)),
            pl.BlockSpec((NC, BR, H_F), lambda i: (0, i, 0)),
            pl.BlockSpec((NC, BR, 8), lambda i: (0, i, 0)),
            pl.BlockSpec((3 * H_F, H_F), lambda i: (0, 0)),
            pl.BlockSpec((1, H_F), lambda i: (0, 0)),
            pl.BlockSpec((H_F, 2), lambda i: (0, 0)),
            pl.BlockSpec((1, 2), lambda i: (0, 0)),
        ],
        out_specs=pl.BlockSpec((BR, 2), lambda i: (i, 0)),
        out_shape=jax.ShapeDtypeStruct((N_NODES, 2), jnp.float32),
    )(h, f1, agg_parts, deg_parts, Wm1, bm1, Wm2, bm2)



def kernel(x, edge_index, W1, b1, W2, b2, Wm1, bm1, Wm2, bm2):
    src = edge_index[0].astype(jnp.int32).reshape(NW, CHUNKS, K)
    dst = edge_index[1].astype(jnp.int32).reshape(NW, CHUNKS, K)
    zeros32 = jnp.zeros((NPAD, H_F), jnp.float32)
    zeros8 = jnp.zeros((NPAD, 8), jnp.float32)
    ones8 = jnp.ones((K, 8), jnp.float32)

    deg_parts = _sc_deg()(dst, ones8, zeros8)
    h = _tc_mm(x, W1, b1.reshape(1, H_F), W2, b2.reshape(1, H_F))
    g = _tc_norm(h, deg_parts)
    agg1 = _sc_lap()(g, src, dst, zeros32)
    f1, g2 = _tc_mid(h, agg1, deg_parts)
    agg2 = _sc_lap()(g2, src, dst, zeros32)
    return _tc_post(h, f1, agg2, deg_parts, Wm1, bm1.reshape(1, H_F),
                    Wm2, bm2.reshape(1, 2))

# --- scband reference (transcript-rebuilt; emitter-appended) ---
"""Pipeline reference for scband-bwgnn-87943750353376 (READ-ONLY COPY).

The authoritative reference and input builder live on the scoring server;
editing this copy changes nothing except your own understanding.
"""

import jax, jax.numpy as jnp
import numpy as np

N_NODES = 10000
N_EDGES = 320000
IN_FEATS = 128
H_FEATS = 32
NUM_CLASSES = 2
# Beta-wavelet polynomial coefficients for d=2 (calculate_theta(d=2))
THETAS = [[3.0, -3.0, 0.75], [0.0, 3.0, -1.5], [0.0, 0.0, 0.75]]


def setup_inputs(seed: int = 0) -> dict:
    key = jax.random.key(seed)
    ks = jax.random.split(key, 12)
    x = jax.random.normal(ks[0], (N_NODES, IN_FEATS), dtype=jnp.float32)
    edge_index = jax.random.randint(ks[1], (2, N_EDGES), 0, N_NODES)
    W1 = jax.random.normal(ks[2], (IN_FEATS, H_FEATS), dtype=jnp.float32) * (1.0 / np.sqrt(IN_FEATS))
    b1 = jnp.zeros((H_FEATS,), dtype=jnp.float32)
    W2 = jax.random.normal(ks[3], (H_FEATS, H_FEATS), dtype=jnp.float32) * (1.0 / np.sqrt(H_FEATS))
    b2 = jnp.zeros((H_FEATS,), dtype=jnp.float32)
    mlp_in = H_FEATS * len(THETAS)
    Wm1 = jax.random.normal(ks[4], (mlp_in, H_FEATS), dtype=jnp.float32) * (1.0 / np.sqrt(mlp_in))
    bm1 = jnp.zeros((H_FEATS,), dtype=jnp.float32)
    Wm2 = jax.random.normal(ks[5], (H_FEATS, NUM_CLASSES), dtype=jnp.float32) * (1.0 / np.sqrt(H_FEATS))
    bm2 = jnp.zeros((NUM_CLASSES,), dtype=jnp.float32)
    return {"x": x, "edge_index": edge_index, "W1": W1, "b1": b1, "W2": W2, "b2": b2,
            "Wm1": Wm1, "bm1": bm1, "Wm2": Wm2, "bm2": bm2}


def reference(x, edge_index, W1, b1, W2, b2, Wm1, bm1, Wm2, bm2):
    src = edge_index[0]
    dst = edge_index[1]
    # in-degrees (dst side), clamp min 1, D^{-1/2}
    deg = jax.ops.segment_sum(jnp.ones((N_EDGES,), dtype=jnp.float32), dst, num_segments=N_NODES)
    d_invsqrt = jnp.power(jnp.clip(deg, 1.0, None), -0.5)[:, None]

    # two linear + ReLU layers before the polynomial convs
    h = jax.nn.relu(x @ W1 + b1)
    h = jax.nn.relu(h @ W2 + b2)

    def unn_laplacian(feat):
        # feat - D^{-1/2} A D^{-1/2} feat  (copy_u + sum aggregation onto dst)
        m = (feat * d_invsqrt)[src]
        agg = jax.ops.segment_sum(m, dst, num_segments=N_NODES)
        return feat - agg * d_invsqrt

    outs = []
    for theta in THETAS:
        feat = h
        acc = theta[0] * feat
        for k in range(1, len(theta)):
            feat = unn_laplacian(feat)
            acc = acc + theta[k] * feat
        outs.append(acc)
    h_final = jnp.concatenate(outs, axis=-1)

    # MLP: linear -> ReLU -> linear (dropout_rate=0 -> identity)
    h_mlp = jax.nn.relu(h_final @ Wm1 + bm1)
    out = h_mlp @ Wm2 + bm2
    return out

if __name__ == "__main__":
    import jax
    _d = setup_inputs()
    print(jax.jit(kernel)(*tuple(_d.values())))

</pallas_src>

<mosaic_0001>
#map = affine_map<(d0, d1) -> (0, 0)>
#map1 = affine_map<(d0, d1) -> (0, 0, 0)>
module attributes {stable_mosaic.version = 14 : i64} {
  func.func @lap_kernel(%arg0: i32, %arg1: i32, %arg2: memref<10000x32xf32, #tpu.memory_space<hbm>>, %arg3: memref<32x125x80xi32, #tpu.memory_space<hbm>>, %arg4: memref<32x125x80xi32, #tpu.memory_space<hbm>>, %arg5: memref<10240x32xf32, #tpu.memory_space<hbm>>, %arg6: memref<2x10240x32xf32, #tpu.memory_space<hbm>>, %arg7: memref<10240x32xf32, #tpu.memory_space<vmem_shared>>, %arg8: memref<10000x32xf32, #tpu.memory_space<vmem_shared>>, %arg9: memref<125x80xi32, #tpu.memory_space<vmem>>, %arg10: memref<125x80xi32, #tpu.memory_space<vmem>>, %arg11: memref<80x32xf32, #tpu.memory_space<vmem>>, %arg12: memref<80x32xf32, #tpu.memory_space<vmem>>, %arg13: memref<80x32xf32, #tpu.memory_space<vmem>>, %arg14: memref<80x32xf32, #tpu.memory_space<vmem>>, %arg15: memref<!tpu.dma_semaphore, #tpu.memory_space<semaphore_mem>>, %arg16: memref<!tpu.dma_semaphore, #tpu.memory_space<semaphore_mem>>, %arg17: memref<!tpu.dma_semaphore, #tpu.memory_space<semaphore_mem>>, %arg18: memref<!tpu.dma_semaphore, #tpu.memory_space<semaphore_mem>>, %arg19: memref<!tpu.dma_semaphore, #tpu.memory_space<semaphore_mem>>, %arg20: memref<!tpu.dma_semaphore, #tpu.memory_space<semaphore_mem>>, %arg21: memref<!tpu.dma_semaphore, #tpu.memory_space<semaphore_mem>>, %arg22: memref<!tpu.dma_semaphore, #tpu.memory_space<semaphore_mem>>) attributes {dimension_semantics = [#tpu.dimension_semantics<core_parallel>, #tpu.dimension_semantics<subcore_parallel>], iteration_bounds = array<i64: 2, 16>, scalar_prefetch = 0 : i64, scratch_operands = 16 : i64, tpu.core_type = #tpu.core_type<sc_vector_subcore>, window_params = [{transform_indices = #map}, {transform_indices = #map1}, {transform_indices = #map1}, {transform_indices = #map}, {transform_indices = #map1}]} {
    %mul3A = arith.constant 16 : i32
    %mul3A_0 = arith.muli %arg0, %mul3A : i32
    %add3A = arith.addi %mul3A_0, %arg1 : i32
    %mul3A_1 = arith.constant 640 : i32
    %mul3A_2 = arith.muli %arg1, %mul3A_1 : i32
    %mul3A_3 = arith.constant 640 : i32
    %mul3A_4 = arith.muli %arg1, %mul3A_3 : i32
    "tpu.region"() ({
      %run_scoped3A = tpu.sem_alloc : memref<!tpu.dma_semaphore, #tpu.memory_space<semaphore_mem>>
      %dma_start3A_157 = arith.constant 0 : i32
      %dma_start3A_158 = tpu.memref_slice %arg7[%mul3A_4, %dma_start3A_157] : memref<10240x32xf32, #tpu.memory_space<vmem_shared>> -> memref<640x32xf32, #tpu.memory_space<vmem_shared>>
      %dma_start3A_159 = arith.constant 0 : i32
      %dma_start3A_160 = tpu.memref_slice %arg5[%mul3A_2, %dma_start3A_159] : memref<10240x32xf32, #tpu.memory_space<hbm>> -> memref<640x32xf32, #tpu.memory_space<hbm>>
      tpu.enqueue_dma source(%dma_start3A_160 : memref<640x32xf32, #tpu.memory_space<hbm>>) target(%dma_start3A_158 : memref<640x32xf32, #tpu.memory_space<vmem_shared>>) target_semaphore(%run_scoped3A : memref<!tpu.dma_semaphore, #tpu.memory_space<semaphore_mem>>)
      %dma_wait3A_161 = arith.constant 0 : i32
      %dma_wait3A_162 = tpu.memref_slice %arg7[%mul3A_4, %dma_wait3A_161] : memref<10240x32xf32, #tpu.memory_space<vmem_shared>> -> memref<640x32xf32, #tpu.memory_space<vmem_shared>>
      %dma_wait3A_163 = arith.constant 0 : i32
      %dma_wait3A_164 = tpu.memref_slice %arg5[%mul3A_2, %dma_wait3A_163] : memref<10240x32xf32, #tpu.memory_space<hbm>> -> memref<640x32xf32, #tpu.memory_space<hbm>>
      tpu.wait_dma2 semaphore(%run_scoped3A : memref<!tpu.dma_semaphore, #tpu.memory_space<semaphore_mem>>) src(%dma_wait3A_164 : memref<640x32xf32, #tpu.memory_space<hbm>>) dst(%dma_wait3A_162 : memref<640x32xf32, #tpu.memory_space<vmem_shared>>)
      tpu.yield
    }) : () -> ()
    %mul3A_5 = arith.constant 625 : i32
    %mul3A_6 = arith.muli %arg1, %mul3A_5 : i32
    %mul3A_7 = arith.constant 625 : i32
    %mul3A_8 = arith.muli %arg1, %mul3A_7 : i32
    "tpu.region"() ({
      %run_scoped3A = tpu.sem_alloc : memref<!tpu.dma_semaphore, #tpu.memory_space<semaphore_mem>>
      %dma_start3A_157 = arith.constant 0 : i32
      %dma_start3A_158 = tpu.memref_slice %arg8[%mul3A_8, %dma_start3A_157] : memref<10000x32xf32, #tpu.memory_space<vmem_shared>> -> memref<625x32xf32, #tpu.memory_space<vmem_shared>>
      %dma_start3A_159 = arith.constant 0 : i32
      %dma_start3A_160 = tpu.memref_slice %arg2[%mul3A_6, %dma_start3A_159] : memref<10000x32xf32, #tpu.memory_space<hbm>> -> memref<625x32xf32, #tpu.memory_space<hbm>>
      tpu.enqueue_dma source(%dma_start3A_160 : memref<625x32xf32, #tpu.memory_space<hbm>>) target(%dma_start3A_158 : memref<625x32xf32, #tpu.memory_space<vmem_shared>>) target_semaphore(%run_scoped3A : memref<!tpu.dma_semaphore, #tpu.memory_space<semaphore_mem>>)
      %dma_wait3A_161 = arith.constant 0 : i32
      %dma_wait3A_162 = tpu.memref_slice %arg8[%mul3A_8, %dma_wait3A_161] : memref<10000x32xf32, #tpu.memory_space<vmem_shared>> -> memref<625x32xf32, #tpu.memory_space<vmem_shared>>
      %dma_wait3A_163 = arith.constant 0 : i32
      %dma_wait3A_164 = tpu.memref_slice %arg2[%mul3A_6, %dma_wait3A_163] : memref<10000x32xf32, #tpu.memory_space<hbm>> -> memref<625x32xf32, #tpu.memory_space<hbm>>
      tpu.wait_dma2 semaphore(%run_scoped3A : memref<!tpu.dma_semaphore, #tpu.memory_space<semaphore_mem>>) src(%dma_wait3A_164 : memref<625x32xf32, #tpu.memory_space<hbm>>) dst(%dma_wait3A_162 : memref<625x32xf32, #tpu.memory_space<vmem_shared>>)
      tpu.yield
    }) : () -> ()
    "tpu.region"() ({
      %run_scoped3A = tpu.sem_alloc : memref<!tpu.dma_semaphore, #tpu.memory_space<semaphore_mem>>
      %dma_start3A_157 = arith.constant 0 : i32
      %dma_start3A_158 = arith.constant 0 : i32
      %dma_start3A_159 = tpu.memref_slice %arg3[%add3A, %dma_start3A_157, %dma_start3A_158] : memref<32x125x80xi32, #tpu.memory_space<hbm>> -> memref<1x125x80xi32, #tpu.memory_space<hbm>>
      %dma_start3A_160 = tpu.memref_squeeze %dma_start3A_159 : memref<1x125x80xi32, #tpu.memory_space<hbm>> -> memref<125x80xi32, #tpu.memory_space<hbm>>
      %dma_start3A_161 = arith.constant 0 : i32
      %dma_start3A_162 = arith.constant 0 : i32
      %dma_start3A_163 = tpu.memref_slice %arg3[%add3A, %dma_start3A_161, %dma_start3A_162] : memref<32x125x80xi32, #tpu.memory_space<hbm>> -> memref<1x125x80xi32, #tpu.memory_space<hbm>>
      %dma_start3A_164 = tpu.memref_squeeze %dma_start3A_163 : memref<1x125x80xi32, #tpu.memory_space<hbm>> -> memref<125x80xi32, #tpu.memory_space<hbm>>
      tpu.enqueue_dma source(%dma_start3A_164 : memref<125x80xi32, #tpu.memory_space<hbm>>) target(%arg9 : memref<125x80xi32, #tpu.memory_space<vmem>>) target_semaphore(%run_scoped3A : memref<!tpu.dma_semaphore, #tpu.memory_space<semaphore_mem>>)
      %dma_wait3A_165 = arith.constant 0 : i32
      %dma_wait3A_166 = arith.constant 0 : i32
      %dma_wait3A_167 = tpu.memref_slice %arg3[%add3A, %dma_wait3A_165, %dma_wait3A_166] : memref<32x125x80xi32, #tpu.memory_space<hbm>> -> memref<1x125x80xi32, #tpu.memory_space<hbm>>
      %dma_wait3A_168 = tpu.memref_squeeze %dma_wait3A_167 : memref<1x125x80xi32, #tpu.memory_space<hbm>> -> memref<125x80xi32, #tpu.memory_space<hbm>>
      %dma_wait3A_169 = arith.constant 0 : i32
      %dma_wait3A_170 = arith.constant 0 : i32
      %dma_wait3A_171 = tpu.memref_slice %arg3[%add3A, %dma_wait3A_169, %dma_wait3A_170] : memref<32x125x80xi32, #tpu.memory_space<hbm>> -> memref<1x125x80xi32, #tpu.memory_space<hbm>>
      %dma_wait3A_172 = tpu.memref_squeeze %dma_wait3A_171 : memref<1x125x80xi32, #tpu.memory_space<hbm>> -> memref<125x80xi32, #tpu.memory_space<hbm>>
      tpu.wait_dma2 semaphore(%run_scoped3A : memref<!tpu.dma_semaphore, #tpu.memory_space<semaphore_mem>>) src(%dma_wait3A_172 : memref<125x80xi32, #tpu.memory_space<hbm>>) dst(%arg9 : memref<125x80xi32, #tpu.memory_space<vmem>>)
      tpu.yield
    }) : () -> ()
    "tpu.region"() ({
      %run_scoped3A = tpu.sem_alloc : memref<!tpu.dma_semaphore, #tpu.memory_space<semaphore_mem>>
      %dma_start3A_157 = arith.constant 0 : i32
      %dma_start3A_158 = arith.constant 0 : i32
      %dma_start3A_159 = tpu.memref_slice %arg4[%add3A, %dma_start3A_157, %dma_start3A_158] : memref<32x125x80xi32, #tpu.memory_space<hbm>> -> memref<1x125x80xi32, #tpu.memory_space<hbm>>
      %dma_start3A_160 = tpu.memref_squeeze %dma_start3A_159 : memref<1x125x80xi32, #tpu.memory_space<hbm>> -> memref<125x80xi32, #tpu.memory_space<hbm>>
      %dma_start3A_161 = arith.constant 0 : i32
      %dma_start3A_162 = arith.constant 0 : i32
      %dma_start3A_163 = tpu.memref_slice %arg4[%add3A, %dma_start3A_161, %dma_start3A_162] : memref<32x125x80xi32, #tpu.memory_space<hbm>> -> memref<1x125x80xi32, #tpu.memory_space<hbm>>
      %dma_start3A_164 = tpu.memref_squeeze %dma_start3A_163 : memref<1x125x80xi32, #tpu.memory_space<hbm>> -> memref<125x80xi32, #tpu.memory_space<hbm>>
      tpu.enqueue_dma source(%dma_start3A_164 : memref<125x80xi32, #tpu.memory_space<hbm>>) target(%arg10 : memref<125x80xi32, #tpu.memory_space<vmem>>) target_semaphore(%run_scoped3A : memref<!tpu.dma_semaphore, #tpu.memory_space<semaphore_mem>>)
      %dma_wait3A_165 = arith.constant 0 : i32
      %dma_wait3A_166 = arith.constant 0 : i32
      %dma_wait3A_167 = tpu.memref_slice %arg4[%add3A, %dma_wait3A_165, %dma_wait3A_166] : memref<32x125x80xi32, #tpu.memory_space<hbm>> -> memref<1x125x80xi32, #tpu.memory_space<hbm>>
      %dma_wait3A_168 = tpu.memref_squeeze %dma_wait3A_167 : memref<1x125x80xi32, #tpu.memory_space<hbm>> -> memref<125x80xi32, #tpu.memory_space<hbm>>
      %dma_wait3A_169 = arith.constant 0 : i32
      %dma_wait3A_170 = arith.constant 0 : i32
      %dma_wait3A_171 = tpu.memref_slice %arg4[%add3A, %dma_wait3A_169, %dma_wait3A_170] : memref<32x125x80xi32, #tpu.memory_space<hbm>> -> memref<1x125x80xi32, #tpu.memory_space<hbm>>
      %dma_wait3A_172 = tpu.memref_squeeze %dma_wait3A_171 : memref<1x125x80xi32, #tpu.memory_space<hbm>> -> memref<125x80xi32, #tpu.memory_space<hbm>>
      tpu.wait_dma2 semaphore(%run_scoped3A : memref<!tpu.dma_semaphore, #tpu.memory_space<semaphore_mem>>) src(%dma_wait3A_172 : memref<125x80xi32, #tpu.memory_space<hbm>>) dst(%arg10 : memref<125x80xi32, #tpu.memory_space<vmem>>)
      tpu.yield
    }) : () -> ()
    %barrier3A = arith.constant 0 : index
    tpu.barrier barrier_id(%barrier3A)
    %dma_start3A = arith.constant 0 : i32
    %dma_start3A_9 = arith.constant 0 : i32
    %dma_start3A_10 = tpu.memref_slice %arg9[%dma_start3A, %dma_start3A_9] : memref<125x80xi32, #tpu.memory_space<vmem>> -> memref<1x80xi32, #tpu.memory_space<vmem>>
    %dma_start3A_11 = tpu.memref_squeeze %dma_start3A_10 : memref<1x80xi32, #tpu.memory_space<vmem>> -> memref<80xi32, #tpu.memory_space<vmem>>
    %dma_start3A_12 = arith.constant 0 : i32
    %dma_start3A_13 = arith.constant 0 : i32
    %dma_start3A_14 = tpu.memref_slice %arg8[%dma_start3A_12, %dma_start3A_13] : memref<10000x32xf32, #tpu.memory_space<vmem_shared>> -> memref<10000x32xf32, #tpu.memory_space<vmem_shared>>
    tpu.enqueue_indirect_dma source(%dma_start3A_14 : memref<10000x32xf32, #tpu.memory_space<vmem_shared>>) target(%arg11 : memref<80x32xf32, #tpu.memory_space<vmem>>) offsets(%dma_start3A_11 : memref<80xi32, #tpu.memory_space<vmem>>) semaphore(%arg15 : memref<!tpu.dma_semaphore, #tpu.memory_space<semaphore_mem>>)
    %dma_start3A_15 = arith.constant 1 : i32
    %dma_start3A_16 = arith.constant 0 : i32
    %dma_start3A_17 = tpu.memref_slice %arg9[%dma_start3A_15, %dma_start3A_16] : memref<125x80xi32, #tpu.memory_space<vmem>> -> memref<1x80xi32, #tpu.memory_space<vmem>>
    %dma_start3A_18 = tpu.memref_squeeze %dma_start3A_17 : memref<1x80xi32, #tpu.memory_space<vmem>> -> memref<80xi32, #tpu.memory_space<vmem>>
    %dma_start3A_19 = arith.constant 0 : i32
    %dma_start3A_20 = arith.constant 0 : i32
    %dma_start3A_21 = tpu.memref_slice %arg8[%dma_start3A_19, %dma_start3A_20] : memref<10000x32xf32, #tpu.memory_space<vmem_shared>> -> memref<10000x32xf32, #tpu.memory_space<vmem_shared>>
    tpu.enqueue_indirect_dma source(%dma_start3A_21 : memref<10000x32xf32, #tpu.memory_space<vmem_shared>>) target(%arg12 : memref<80x32xf32, #tpu.memory_space<vmem>>) offsets(%dma_start3A_18 : memref<80xi32, #tpu.memory_space<vmem>>) semaphore(%arg16 : memref<!tpu.dma_semaphore, #tpu.memory_space<semaphore_mem>>)
    %dma_wait3A = arith.constant 0 : i32
    %dma_wait3A_22 = arith.constant 0 : i32
    %dma_wait3A_23 = tpu.memref_slice %arg9[%dma_wait3A, %dma_wait3A_22] : memref<125x80xi32, #tpu.memory_space<vmem>> -> memref<1x80xi32, #tpu.memory_space<vmem>>
    %dma_wait3A_24 = tpu.memref_squeeze %dma_wait3A_23 : memref<1x80xi32, #tpu.memory_space<vmem>> -> memref<80xi32, #tpu.memory_space<vmem>>
    %dma_wait3A_25 = arith.constant 0 : i32
    %dma_wait3A_26 = arith.constant 0 : i32
    %dma_wait3A_27 = tpu.memref_slice %arg8[%dma_wait3A_25, %dma_wait3A_26] : memref<10000x32xf32, #tpu.memory_space<vmem_shared>> -> memref<10000x32xf32, #tpu.memory_space<vmem_shared>>
    tpu.wait_indirect_dma semaphore(%arg15 : memref<!tpu.dma_semaphore, #tpu.memory_space<semaphore_mem>>) src(%dma_wait3A_27 : memref<10000x32xf32, #tpu.memory_space<vmem_shared>>) dst(%arg11 : memref<80x32xf32, #tpu.memory_space<vmem>>)
    %dma_start3A_28 = arith.constant 0 : i32
    %dma_start3A_29 = arith.constant 0 : i32
    %dma_start3A_30 = tpu.memref_slice %arg10[%dma_start3A_28, %dma_start3A_29] : memref<125x80xi32, #tpu.memory_space<vmem>> -> memref<1x80xi32, #tpu.memory_space<vmem>>
    %dma_start3A_31 = tpu.memref_squeeze %dma_start3A_30 : memref<1x80xi32, #tpu.memory_space<vmem>> -> memref<80xi32, #tpu.memory_space<vmem>>
    %dma_start3A_32 = arith.constant 0 : i32
    %dma_start3A_33 = arith.constant 0 : i32
    %dma_start3A_34 = tpu.memref_slice %arg7[%dma_start3A_32, %dma_start3A_33] : memref<10240x32xf32, #tpu.memory_space<vmem_shared>> -> memref<10240x32xf32, #tpu.memory_space<vmem_shared>>
    tpu.enqueue_indirect_dma source(%arg11 : memref<80x32xf32, #tpu.memory_space<vmem>>) target(%dma_start3A_34 : memref<10240x32xf32, #tpu.memory_space<vmem_shared>>) offsets(%dma_start3A_31 : memref<80xi32, #tpu.memory_space<vmem>>) semaphore(%arg19 : memref<!tpu.dma_semaphore, #tpu.memory_space<semaphore_mem>>) {add = true}
    %dma_start3A_35 = arith.constant 2 : i32
    %dma_start3A_36 = arith.constant 0 : i32
    %dma_start3A_37 = tpu.memref_slice %arg9[%dma_start3A_35, %dma_start3A_36] : memref<125x80xi32, #tpu.memory_space<vmem>> -> memref<1x80xi32, #tpu.memory_space<vmem>>
    %dma_start3A_38 = tpu.memref_squeeze %dma_start3A_37 : memref<1x80xi32, #tpu.memory_space<vmem>> -> memref<80xi32, #tpu.memory_space<vmem>>
    %dma_start3A_39 = arith.constant 0 : i32
    %dma_start3A_40 = arith.constant 0 : i32
    %dma_start3A_41 = tpu.memref_slice %arg8[%dma_start3A_39, %dma_start3A_40] : memref<10000x32xf32, #tpu.memory_space<vmem_shared>> -> memref<10000x32xf32, #tpu.memory_space<vmem_shared>>
    tpu.enqueue_indirect_dma source(%dma_start3A_41 : memref<10000x32xf32, #tpu.memory_space<vmem_shared>>) target(%arg13 : memref<80x32xf32, #tpu.memory_space<vmem>>) offsets(%dma_start3A_38 : memref<80xi32, #tpu.memory_space<vmem>>) semaphore(%arg17 : memref<!tpu.dma_semaphore, #tpu.memory_space<semaphore_mem>>)
    %dma_wait3A_42 = arith.constant 1 : i32
    %dma_wait3A_43 = arith.constant 0 : i32
    %dma_wait3A_44 = tpu.memref_slice %arg9[%dma_wait3A_42, %dma_wait3A_43] : memref<125x80xi32, #tpu.memory_space<vmem>> -> memref<1x80xi32, #tpu.memory_space<vmem>>
    %dma_wait3A_45 = tpu.memref_squeeze %dma_wait3A_44 : memref<1x80xi32, #tpu.memory_space<vmem>> -> memref<80xi32, #tpu.memory_space<vmem>>
    %dma_wait3A_46 = arith.constant 0 : i32
    %dma_wait3A_47 = arith.constant 0 : i32
    %dma_wait3A_48 = tpu.memref_slice %arg8[%dma_wait3A_46, %dma_wait3A_47] : memref<10000x32xf32, #tpu.memory_space<vmem_shared>> -> memref<10000x32xf32, #tpu.memory_space<vmem_shared>>
    tpu.wait_indirect_dma semaphore(%arg16 : memref<!tpu.dma_semaphore, #tpu.memory_space<semaphore_mem>>) src(%dma_wait3A_48 : memref<10000x32xf32, #tpu.memory_space<vmem_shared>>) dst(%arg12 : memref<80x32xf32, #tpu.memory_space<vmem>>)
    %dma_start3A_49 = arith.constant 1 : i32
    %dma_start3A_50 = arith.constant 0 : i32
    %dma_start3A_51 = tpu.memref_slice %arg10[%dma_start3A_49, %dma_start3A_50] : memref<125x80xi32, #tpu.memory_space<vmem>> -> memref<1x80xi32, #tpu.memory_space<vmem>>
    %dma_start3A_52 = tpu.memref_squeeze %dma_start3A_51 : memref<1x80xi32, #tpu.memory_space<vmem>> -> memref<80xi32, #tpu.memory_space<vmem>>
    %dma_start3A_53 = arith.constant 0 : i32
    %dma_start3A_54 = arith.constant 0 : i32
    %dma_start3A_55 = tpu.memref_slice %arg7[%dma_start3A_53, %dma_start3A_54] : memref<10240x32xf32, #tpu.memory_space<vmem_shared>> -> memref<10240x32xf32, #tpu.memory_space<vmem_shared>>
    tpu.enqueue_indirect_dma source(%arg12 : memref<80x32xf32, #tpu.memory_space<vmem>>) target(%dma_start3A_55 : memref<10240x32xf32, #tpu.memory_space<vmem_shared>>) offsets(%dma_start3A_52 : memref<80xi32, #tpu.memory_space<vmem>>) semaphore(%arg20 : memref<!tpu.dma_semaphore, #tpu.memory_space<semaphore_mem>>) {add = true}
    %dma_start3A_56 = arith.constant 3 : i32
    %dma_start3A_57 = arith.constant 0 : i32
    %dma_start3A_58 = tpu.memref_slice %arg9[%dma_start3A_56, %dma_start3A_57] : memref<125x80xi32, #tpu.memory_space<vmem>> -> memref<1x80xi32, #tpu.memory_space<vmem>>
    %dma_start3A_59 = tpu.memref_squeeze %dma_start3A_58 : memref<1x80xi32, #tpu.memory_space<vmem>> -> memref<80xi32, #tpu.memory_space<vmem>>
    %dma_start3A_60 = arith.constant 0 : i32
    %dma_start3A_61 = arith.constant 0 : i32
    %dma_start3A_62 = tpu.memref_slice %arg8[%dma_start3A_60, %dma_start3A_61] : memref<10000x32xf32, #tpu.memory_space<vmem_shared>> -> memref<10000x32xf32, #tpu.memory_space<vmem_shared>>
    tpu.enqueue_indirect_dma source(%dma_start3A_62 : memref<10000x32xf32, #tpu.memory_space<vmem_shared>>) target(%arg14 : memref<80x32xf32, #tpu.memory_space<vmem>>) offsets(%dma_start3A_59 : memref<80xi32, #tpu.memory_space<vmem>>) semaphore(%arg18 : memref<!tpu.dma_semaphore, #tpu.memory_space<semaphore_mem>>)
    %scan3A = arith.constant 0 : i32
    %scan3A_63 = arith.constant 0 : i32
    %scan3A_64 = arith.constant 30 : i32
    %scan3A_65 = arith.addi %scan3A_63, %scan3A_64 : i32
    %scan3A_66 = arith.constant 1 : i32
    scf.for %scan3A_157 = %scan3A_63 to %scan3A_65 step %scan3A_66  : i32 {
      %mul3A_158 = arith.constant 4 : i32
      %mul3A_159 = arith.muli %mul3A_158, %scan3A_157 : i32
      %add3A_160 = arith.constant 2 : i32
      %add3A_161 = arith.addi %add3A_160, %mul3A_159 : i32
      %add3A_162 = arith.constant 0 : i32
      %add3A_163 = arith.addi %add3A_161, %add3A_162 : i32
      %dma_wait3A_164 = arith.constant 0 : i32
      %dma_wait3A_165 = tpu.memref_slice %arg9[%add3A_163, %dma_wait3A_164] : memref<125x80xi32, #tpu.memory_space<vmem>> -> memref<1x80xi32, #tpu.memory_space<vmem>>
      %dma_wait3A_166 = tpu.memref_squeeze %dma_wait3A_165 : memref<1x80xi32, #tpu.memory_space<vmem>> -> memref<80xi32, #tpu.memory_space<vmem>>
      %dma_wait3A_167 = arith.constant 0 : i32
      %dma_wait3A_168 = arith.constant 0 : i32
      %dma_wait3A_169 = tpu.memref_slice %arg8[%dma_wait3A_167, %dma_wait3A_168] : memref<10000x32xf32, #tpu.memory_space<vmem_shared>> -> memref<10000x32xf32, #tpu.memory_space<vmem_shared>>
      tpu.wait_indirect_dma semaphore(%arg17 : memref<!tpu.dma_semaphore, #tpu.memory_space<semaphore_mem>>) src(%dma_wait3A_169 : memref<10000x32xf32, #tpu.memory_space<vmem_shared>>) dst(%arg13 : memref<80x32xf32, #tpu.memory_space<vmem>>)
      %dma_start3A_170 = arith.constant 0 : i32
      %dma_start3A_171 = tpu.memref_slice %arg10[%add3A_163, %dma_start3A_170] : memref<125x80xi32, #tpu.memory_space<vmem>> -> memref<1x80xi32, #tpu.memory_space<vmem>>
      %dma_start3A_172 = tpu.memref_squeeze %dma_start3A_171 : memref<1x80xi32, #tpu.memory_space<vmem>> -> memref<80xi32, #tpu.memory_space<vmem>>
      %dma_start3A_173 = arith.constant 0 : i32
      %dma_start3A_174 = arith.constant 0 : i32
      %dma_start3A_175 = tpu.memref_slice %arg7[%dma_start3A_173, %dma_start3A_174] : memref<10240x32xf32, #tpu.memory_space<vmem_shared>> -> memref<10240x32xf32, #tpu.memory_space<vmem_shared>>
      tpu.enqueue_indirect_dma source(%arg13 : memref<80x32xf32, #tpu.memory_space<vmem>>) target(%dma_start3A_175 : memref<10240x32xf32, #tpu.memory_space<vmem_shared>>) offsets(%dma_start3A_172 : memref<80xi32, #tpu.memory_space<vmem>>) semaphore(%arg21 : memref<!tpu.dma_semaphore, #tpu.memory_space<semaphore_mem>>) {add = true}
      %sub3A = arith.constant 2 : i32
      %sub3A_176 = arith.subi %add3A_163, %sub3A : i32
      %dma_wait3A_177 = arith.constant 0 : i32
      %dma_wait3A_178 = tpu.memref_slice %arg10[%sub3A_176, %dma_wait3A_177] : memref<125x80xi32, #tpu.memory_space<vmem>> -> memref<1x80xi32, #tpu.memory_space<vmem>>
      %dma_wait3A_179 = tpu.memref_squeeze %dma_wait3A_178 : memref<1x80xi32, #tpu.memory_space<vmem>> -> memref<80xi32, #tpu.memory_space<vmem>>
      %dma_wait3A_180 = arith.constant 0 : i32
      %dma_wait3A_181 = arith.constant 0 : i32
      %dma_wait3A_182 = tpu.memref_slice %arg7[%dma_wait3A_180, %dma_wait3A_181] : memref<10240x32xf32, #tpu.memory_space<vmem_shared>> -> memref<10240x32xf32, #tpu.memory_space<vmem_shared>>
      tpu.wait_indirect_dma semaphore(%arg19 : memref<!tpu.dma_semaphore, #tpu.memory_space<semaphore_mem>>) src(%arg11 : memref<80x32xf32, #tpu.memory_space<vmem>>) dst(%dma_wait3A_182 : memref<10240x32xf32, #tpu.memory_space<vmem_shared>>)
      %add3A_183 = arith.constant 2 : i32
      %add3A_184 = arith.addi %add3A_163, %add3A_183 : i32
      %dma_start3A_185 = arith.constant 0 : i32
      %dma_start3A_186 = tpu.memref_slice %arg9[%add3A_184, %dma_start3A_185] : memref<125x80xi32, #tpu.memory_space<vmem>> -> memref<1x80xi32, #tpu.memory_space<vmem>>
      %dma_start3A_187 = tpu.memref_squeeze %dma_start3A_186 : memref<1x80xi32, #tpu.memory_space<vmem>> -> memref<80xi32, #tpu.memory_space<vmem>>
      %dma_start3A_188 = arith.constant 0 : i32
      %dma_start3A_189 = arith.constant 0 : i32
      %dma_start3A_190 = tpu.memref_slice %arg8[%dma_start3A_188, %dma_start3A_189] : memref<10000x32xf32, #tpu.memory_space<vmem_shared>> -> memref<10000x32xf32, #tpu.memory_space<vmem_shared>>
      tpu.enqueue_indirect_dma source(%dma_start3A_190 : memref<10000x32xf32, #tpu.memory_space<vmem_shared>>) target(%arg11 : memref<80x32xf32, #tpu.memory_space<vmem>>) offsets(%dma_start3A_187 : memref<80xi32, #tpu.memory_space<vmem>>) semaphore(%arg15 : memref<!tpu.dma_semaphore, #tpu.memory_space<semaphore_mem>>)
      %add3A_191 = arith.constant 1 : i32
      %add3A_192 = arith.addi %add3A_161, %add3A_191 : i32
      %dma_wait3A_193 = arith.constant 0 : i32
      %dma_wait3A_194 = tpu.memref_slice %arg9[%add3A_192, %dma_wait3A_193] : memref<125x80xi32, #tpu.memory_space<vmem>> -> memref<1x80xi32, #tpu.memory_space<vmem>>
      %dma_wait3A_195 = tpu.memref_squeeze %dma_wait3A_194 : memref<1x80xi32, #tpu.memory_space<vmem>> -> memref<80xi32, #tpu.memory_space<vmem>>
      %dma_wait3A_196 = arith.constant 0 : i32
      %dma_wait3A_197 = arith.constant 0 : i32
      %dma_wait3A_198 = tpu.memref_slice %arg8[%dma_wait3A_196, %dma_wait3A_197] : memref<10000x32xf32, #tpu.memory_space<vmem_shared>> -> memref<10000x32xf32, #tpu.memory_space<vmem_shared>>
      tpu.wait_indirect_dma semaphore(%arg18 : memref<!tpu.dma_semaphore, #tpu.memory_space<semaphore_mem>>) src(%dma_wait3A_198 : memref<10000x32xf32, #tpu.memory_space<vmem_shared>>) dst(%arg14 : memref<80x32xf32, #tpu.memory_space<vmem>>)
      %dma_start3A_199 = arith.constant 0 : i32
      %dma_start3A_200 = tpu.memref_slice %arg10[%add3A_192, %dma_start3A_199] : memref<125x80xi32, #tpu.memory_space<vmem>> -> memref<1x80xi32, #tpu.memory_space<vmem>>
      %dma_start3A_201 = tpu.memref_squeeze %dma_start3A_200 : memref<1x80xi32, #tpu.memory_space<vmem>> -> memref<80xi32, #tpu.memory_space<vmem>>
      %dma_start3A_202 = arith.constant 0 : i32
      %dma_start3A_203 = arith.constant 0 : i32
      %dma_start3A_204 = tpu.memref_slice %arg7[%dma_start3A_202, %dma_start3A_203] : memref<10240x32xf32, #tpu.memory_space<vmem_shared>> -> memref<10240x32xf32, #tpu.memory_space<vmem_shared>>
      tpu.enqueue_indirect_dma source(%arg14 : memref<80x32xf32, #tpu.memory_space<vmem>>) target(%dma_start3A_204 : memref<10240x32xf32, #tpu.memory_space<vmem_shared>>) offsets(%dma_start3A_201 : memref<80xi32, #tpu.memory_space<vmem>>) semaphore(%arg22 : memref<!tpu.dma_semaphore, #tpu.memory_space<semaphore_mem>>) {add = true}
      %sub3A_205 = arith.constant 2 : i32
      %sub3A_206 = arith.subi %add3A_192, %sub3A_205 : i32
      %dma_wait3A_207 = arith.constant 0 : i32
      %dma_wait3A_208 = tpu.memref_slice %arg10[%sub3A_206, %dma_wait3A_207] : memref<125x80xi32, #tpu.memory_space<vmem>> -> memref<1x80xi32, #tpu.memory_space<vmem>>
      %dma_wait3A_209 = tpu.memref_squeeze %dma_wait3A_208 : memref<1x80xi32, #tpu.memory_space<vmem>> -> memref<80xi32, #tpu.memory_space<vmem>>
      %dma_wait3A_210 = arith.constant 0 : i32
      %dma_wait3A_211 = arith.constant 0 : i32
      %dma_wait3A_212 = tpu.memref_slice %arg7[%dma_wait3A_210, %dma_wait3A_211] : memref<10240x32xf32, #tpu.memory_space<vmem_shared>> -> memref<10240x32xf32, #tpu.memory_space<vmem_shared>>
      tpu.wait_indirect_dma semaphore(%arg20 : memref<!tpu.dma_semaphore, #tpu.memory_space<semaphore_mem>>) src(%arg12 : memref<80x32xf32, #tpu.memory_space<vmem>>) dst(%dma_wait3A_212 : memref<10240x32xf32, #tpu.memory_space<vmem_shared>>)
      %add3A_213 = arith.constant 2 : i32
      %add3A_214 = arith.addi %add3A_192, %add3A_213 : i32
      %dma_start3A_215 = arith.constant 0 : i32
      %dma_start3A_216 = tpu.memref_slice %arg9[%add3A_214, %dma_start3A_215] : memref<125x80xi32, #tpu.memory_space<vmem>> -> memref<1x80xi32, #tpu.memory_space<vmem>>
      %dma_start3A_217 = tpu.memref_squeeze %dma_start3A_216 : memref<1x80xi32, #tpu.memory_space<vmem>> -> memref<80xi32, #tpu.memory_space<vmem>>
      %dma_start3A_218 = arith.constant 0 : i32
      %dma_start3A_219 = arith.constant 0 : i32
      %dma_start3A_220 = tpu.memref_slice %arg8[%dma_start3A_218, %dma_start3A_219] : memref<10000x32xf32, #tpu.memory_space<vmem_shared>> -> memref<10000x32xf32, #tpu.memory_space<vmem_shared>>
      tpu.enqueue_indirect_dma source(%dma_start3A_220 : memref<10000x32xf32, #tpu.memory_space<vmem_shared>>) target(%arg12 : memref<80x32xf32, #tpu.memory_space<vmem>>) offsets(%dma_start3A_217 : memref<80xi32, #tpu.memory_space<vmem>>) semaphore(%arg16 : memref<!tpu.dma_semaphore, #tpu.memory_space<semaphore_mem>>)
      %add3A_221 = arith.constant 2 : i32
      %add3A_222 = arith.addi %add3A_161, %add3A_221 : i32
      %dma_wait3A_223 = arith.constant 0 : i32
      %dma_wait3A_224 = tpu.memref_slice %arg9[%add3A_222, %dma_wait3A_223] : memref<125x80xi32, #tpu.memory_space<vmem>> -> memref<1x80xi32, #tpu.memory_space<vmem>>
      %dma_wait3A_225 = tpu.memref_squeeze %dma_wait3A_224 : memref<1x80xi32, #tpu.memory_space<vmem>> -> memref<80xi32, #tpu.memory_space<vmem>>
      %dma_wait3A_226 = arith.constant 0 : i32
      %dma_wait3A_227 = arith.constant 0 : i32
      %dma_wait3A_228 = tpu.memref_slice %arg8[%dma_wait3A_226, %dma_wait3A_227] : memref<10000x32xf32, #tpu.memory_space<vmem_shared>> -> memref<10000x32xf32, #tpu.memory_space<vmem_shared>>
      tpu.wait_indirect_dma semaphore(%arg15 : memref<!tpu.dma_semaphore, #tpu.memory_space<semaphore_mem>>) src(%dma_wait3A_228 : memref<10000x32xf32, #tpu.memory_space<vmem_shared>>) dst(%arg11 : memref<80x32xf32, #tpu.memory_space<vmem>>)
      %dma_start3A_229 = arith.constant 0 : i32
      %dma_start3A_230 = tpu.memref_slice %arg10[%add3A_222, %dma_start3A_229] : memref<125x80xi32, #tpu.memory_space<vmem>> -> memref<1x80xi32, #tpu.memory_space<vmem>>
      %dma_start3A_231 = tpu.memref_squeeze %dma_start3A_230 : memref<1x80xi32, #tpu.memory_space<vmem>> -> memref<80xi32, #tpu.memory_space<vmem>>
      %dma_start3A_232 = arith.constant 0 : i32
      %dma_start3A_233 = arith.constant 0 : i32
      %dma_start3A_234 = tpu.memref_slice %arg7[%dma_start3A_232, %dma_start3A_233] : memref<10240x32xf32, #tpu.memory_space<vmem_shared>> -> memref<10240x32xf32, #tpu.memory_space<vmem_shared>>
      tpu.enqueue_indirect_dma source(%arg11 : memref<80x32xf32, #tpu.memory_space<vmem>>) target(%dma_start3A_234 : memref<10240x32xf32, #tpu.memory_space<vmem_shared>>) offsets(%dma_start3A_231 : memref<80xi32, #tpu.memory_space<vmem>>) semaphore(%arg19 : memref<!tpu.dma_semaphore, #tpu.memory_space<semaphore_mem>>) {add = true}
      %sub3A_235 = arith.constant 2 : i32
      %sub3A_236 = arith.subi %add3A_222, %sub3A_235 : i32
      %dma_wait3A_237 = arith.constant 0 : i32
      %dma_wait3A_238 = tpu.memref_slice %arg10[%sub3A_236, %dma_wait3A_237] : memref<125x80xi32, #tpu.memory_space<vmem>> -> memref<1x80xi32, #tpu.memory_space<vmem>>
      %dma_wait3A_239 = tpu.memref_squeeze %dma_wait3A_238 : memref<1x80xi32, #tpu.memory_space<vmem>> -> memref<80xi32, #tpu.memory_space<vmem>>
      %dma_wait3A_240 = arith.constant 0 : i32
      %dma_wait3A_241 = arith.constant 0 : i32
      %dma_wait3A_242 = tpu.memref_slice %arg7[%dma_wait3A_240, %dma_wait3A_241] : memref<10240x32xf32, #tpu.memory_space<vmem_shared>> -> memref<10240x32xf32, #tpu.memory_space<vmem_shared>>
      tpu.wait_indirect_dma semaphore(%arg21 : memref<!tpu.dma_semaphore, #tpu.memory_space<semaphore_mem>>) src(%arg13 : memref<80x32xf32, #tpu.memory_space<vmem>>) dst(%dma_wait3A_242 : memref<10240x32xf32, #tpu.memory_space<vmem_shared>>)
      %add3A_243 = arith.constant 2 : i32
      %add3A_244 = arith.addi %add3A_222, %add3A_243 : i32
      %dma_start3A_245 = arith.constant 0 : i32
      %dma_start3A_246 = tpu.memref_slice %arg9[%add3A_244, %dma_start3A_245] : memref<125x80xi32, #tpu.memory_space<vmem>> -> memref<1x80xi32, #tpu.memory_space<vmem>>
      %dma_start3A_247 = tpu.memref_squeeze %dma_start3A_246 : memref<1x80xi32, #tpu.memory_space<vmem>> -> memref<80xi32, #tpu.memory_space<vmem>>
      %dma_start3A_248 = arith.constant 0 : i32
      %dma_start3A_249 = arith.constant 0 : i32
      %dma_start3A_250 = tpu.memref_slice %arg8[%dma_start3A_248, %dma_start3A_249] : memref<10000x32xf32, #tpu.memory_space<vmem_shared>> -> memref<10000x32xf32, #tpu.memory_space<vmem_shared>>
      tpu.enqueue_indirect_dma source(%dma_start3A_250 : memref<10000x32xf32, #tpu.memory_space<vmem_shared>>) target(%arg13 : memref<80x32xf32, #tpu.memory_space<vmem>>) offsets(%dma_start3A_247 : memref<80xi32, #tpu.memory_space<vmem>>) semaphore(%arg17 : memref<!tpu.dma_semaphore, #tpu.memory_space<semaphore_mem>>)
      %add3A_251 = arith.constant 3 : i32
      %add3A_252 = arith.addi %add3A_161, %add3A_251 : i32
      %dma_wait3A_253 = arith.constant 0 : i32
      %dma_wait3A_254 = tpu.memref_slice %arg9[%add3A_252, %dma_wait3A_253] : memref<125x80xi32, #tpu.memory_space<vmem>> -> memref<1x80xi32, #tpu.memory_space<vmem>>
      %dma_wait3A_255 = tpu.memref_squeeze %dma_wait3A_254 : memref<1x80xi32, #tpu.memory_space<vmem>> -> memref<80xi32, #tpu.memory_space<vmem>>
      %dma_wait3A_256 = arith.constant 0 : i32
      %dma_wait3A_257 = arith.constant 0 : i32
      %dma_wait3A_258 = tpu.memref_slice %arg8[%dma_wait3A_256, %dma_wait3A_257] : memref<10000x32xf32, #tpu.memory_space<vmem_shared>> -> memref<10000x32xf32, #tpu.memory_space<vmem_shared>>
      tpu.wait_indirect_dma semaphore(%arg16 : memref<!tpu.dma_semaphore, #tpu.memory_space<semaphore_mem>>) src(%dma_wait3A_258 : memref<10000x32xf32, #tpu.memory_space<vmem_shared>>) dst(%arg12 : memref<80x32xf32, #tpu.memory_space<vmem>>)
      %dma_start3A_259 = arith.constant 0 : i32
      %dma_start3A_260 = tpu.memref_slice %arg10[%add3A_252, %dma_start3A_259] : memref<125x80xi32, #tpu.memory_space<vmem>> -> memref<1x80xi32, #tpu.memory_space<vmem>>
      %dma_start3A_261 = tpu.memref_squeeze %dma_start3A_260 : memref<1x80xi32, #tpu.memory_space<vmem>> -> memref<80xi32, #tpu.memory_space<vmem>>
      %dma_start3A_262 = arith.constant 0 : i32
      %dma_start3A_263 = arith.constant 0 : i32
      %dma_start3A_264 = tpu.memref_slice %arg7[%dma_start3A_262, %dma_start3A_263] : memref<10240x32xf32, #tpu.memory_space<vmem_shared>> -> memref<10240x32xf32, #tpu.memory_space<vmem_shared>>
      tpu.enqueue_indirect_dma source(%arg12 : memref<80x32xf32, #tpu.memory_space<vmem>>) target(%dma_start3A_264 : memref<10240x32xf32, #tpu.memory_space<vmem_shared>>) offsets(%dma_start3A_261 : memref<80xi32, #tpu.memory_space<vmem>>) semaphore(%arg20 : memref<!tpu.dma_semaphore, #tpu.memory_space<semaphore_mem>>) {add = true}
      %sub3A_265 = arith.constant 2 : i32
      %sub3A_266 = arith.subi %add3A_252, %sub3A_265 : i32
      %dma_wait3A_267 = arith.constant 0 : i32
      %dma_wait3A_268 = tpu.memref_slice %arg10[%sub3A_266, %dma_wait3A_267] : memref<125x80xi32, #tpu.memory_space<vmem>> -> memref<1x80xi32, #tpu.memory_space<vmem>>
      %dma_wait3A_269 = tpu.memref_squeeze %dma_wait3A_268 : memref<1x80xi32, #tpu.memory_space<vmem>> -> memref<80xi32, #tpu.memory_space<vmem>>
      %dma_wait3A_270 = arith.constant 0 : i32
      %dma_wait3A_271 = arith.constant 0 : i32
      %dma_wait3A_272 = tpu.memref_slice %arg7[%dma_wait3A_270, %dma_wait3A_271] : memref<10240x32xf32, #tpu.memory_space<vmem_shared>> -> memref<10240x32xf32, #tpu.memory_space<vmem_shared>>
      tpu.wait_indirect_dma semaphore(%arg22 : memref<!tpu.dma_semaphore, #tpu.memory_space<semaphore_mem>>) src(%arg14 : memref<80x32xf32, #tpu.memory_space<vmem>>) dst(%dma_wait3A_272 : memref<10240x32xf32, #tpu.memory_space<vmem_shared>>)
      %add3A_273 = arith.constant 2 : i32
      %add3A_274 = arith.addi %add3A_252, %add3A_273 : i32
      %dma_start3A_275 = arith.constant 0 : i32
      %dma_start3A_276 = tpu.memref_slice %arg9[%add3A_274, %dma_start3A_275] : memref<125x80xi32, #tpu.memory_space<vmem>> -> memref<1x80xi32, #tpu.memory_space<vmem>>
      %dma_start3A_277 = tpu.memref_squeeze %dma_start3A_276 : memref<1x80xi32, #tpu.memory_space<vmem>> -> memref<80xi32, #tpu.memory_space<vmem>>
      %dma_start3A_278 = arith.constant 0 : i32
      %dma_start3A_279 = arith.constant 0 : i32
      %dma_start3A_280 = tpu.memref_slice %arg8[%dma_start3A_278, %dma_start3A_279] : memref<10000x32xf32, #tpu.memory_space<vmem_shared>> -> memref<10000x32xf32, #tpu.memory_space<vmem_shared>>
      tpu.enqueue_indirect_dma source(%dma_start3A_280 : memref<10000x32xf32, #tpu.memory_space<vmem_shared>>) target(%arg14 : memref<80x32xf32, #tpu.memory_space<vmem>>) offsets(%dma_start3A_277 : memref<80xi32, #tpu.memory_space<vmem>>) semaphore(%arg18 : memref<!tpu.dma_semaphore, #tpu.memory_space<semaphore_mem>>)
    }
    %scan3A_67 = arith.constant 30 : i32
    %dma_wait3A_68 = arith.constant 122 : i32
    %dma_wait3A_69 = arith.constant 0 : i32
    %dma_wait3A_70 = tpu.memref_slice %arg9[%dma_wait3A_68, %dma_wait3A_69] : memref<125x80xi32, #tpu.memory_space<vmem>> -> memref<1x80xi32, #tpu.memory_space<vmem>>
    %dma_wait3A_71 = tpu.memref_squeeze %dma_wait3A_70 : memref<1x80xi32, #tpu.memory_space<vmem>> -> memref<80xi32, #tpu.memory_space<vmem>>
    %dma_wait3A_72 = arith.constant 0 : i32
    %dma_wait3A_73 = arith.constant 0 : i32
    %dma_wait3A_74 = tpu.memref_slice %arg8[%dma_wait3A_72, %dma_wait3A_73] : memref<10000x32xf32, #tpu.memory_space<vmem_shared>> -> memref<10000x32xf32, #tpu.memory_space<vmem_shared>>
    tpu.wait_indirect_dma semaphore(%arg17 : memref<!tpu.dma_semaphore, #tpu.memory_space<semaphore_mem>>) src(%dma_wait3A_74 : memref<10000x32xf32, #tpu.memory_space<vmem_shared>>) dst(%arg13 : memref<80x32xf32, #tpu.memory_space<vmem>>)
    %dma_start3A_75 = arith.constant 122 : i32
    %dma_start3A_76 = arith.constant 0 : i32
    %dma_start3A_77 = tpu.memref_slice %arg10[%dma_start3A_75, %dma_start3A_76] : memref<125x80xi32, #tpu.memory_space<vmem>> -> memref<1x80xi32, #tpu.memory_space<vmem>>
    %dma_start3A_78 = tpu.memref_squeeze %dma_start3A_77 : memref<1x80xi32, #tpu.memory_space<vmem>> -> memref<80xi32, #tpu.memory_space<vmem>>
    %dma_start3A_79 = arith.constant 0 : i32
    %dma_start3A_80 = arith.constant 0 : i32
    %dma_start3A_81 = tpu.memref_slice %arg7[%dma_start3A_79, %dma_start3A_80] : memref<10240x32xf32, #tpu.memory_space<vmem_shared>> -> memref<10240x32xf32, #tpu.memory_space<vmem_shared>>
    tpu.enqueue_indirect_dma source(%arg13 : memref<80x32xf32, #tpu.memory_space<vmem>>) target(%dma_start3A_81 : memref<10240x32xf32, #tpu.memory_space<vmem_shared>>) offsets(%dma_start3A_78 : memref<80xi32, #tpu.memory_space<vmem>>) semaphore(%arg21 : memref<!tpu.dma_semaphore, #tpu.memory_space<semaphore_mem>>) {add = true}
    %dma_wait3A_82 = arith.constant 120 : i32
    %dma_wait3A_83 = arith.constant 0 : i32
    %dma_wait3A_84 = tpu.memref_slice %arg10[%dma_wait3A_82, %dma_wait3A_83] : memref<125x80xi32, #tpu.memory_space<vmem>> -> memref<1x80xi32, #tpu.memory_space<vmem>>
    %dma_wait3A_85 = tpu.memref_squeeze %dma_wait3A_84 : memref<1x80xi32, #tpu.memory_space<vmem>> -> memref<80xi32, #tpu.memory_space<vmem>>
    %dma_wait3A_86 = arith.constant 0 : i32
    %dma_wait3A_87 = arith.constant 0 : i32
    %dma_wait3A_88 = tpu.memref_slice %arg7[%dma_wait3A_86, %dma_wait3A_87] : memref<10240x32xf32, #tpu.memory_space<vmem_shared>> -> memref<10240x32xf32, #tpu.memory_space<vmem_shared>>
    tpu.wait_indirect_dma semaphore(%arg19 : memref<!tpu.dma_semaphore, #tpu.memory_space<semaphore_mem>>) src(%arg11 : memref<80x32xf32, #tpu.memory_space<vmem>>) dst(%dma_wait3A_88 : memref<10240x32xf32, #tpu.memory_space<vmem_shared>>)
    %dma_start3A_89 = arith.constant 124 : i32
    %dma_start3A_90 = arith.constant 0 : i32
    %dma_start3A_91 = tpu.memref_slice %arg9[%dma_start3A_89, %dma_start3A_90] : memref<125x80xi32, #tpu.memory_space<vmem>> -> memref<1x80xi32, #tpu.memory_space<vmem>>
    %dma_start3A_92 = tpu.memref_squeeze %dma_start3A_91 : memref<1x80xi32, #tpu.memory_space<vmem>> -> memref<80xi32, #tpu.memory_space<vmem>>
    %dma_start3A_93 = arith.constant 0 : i32
    %dma_start3A_94 = arith.constant 0 : i32
    %dma_start3A_95 = tpu.memref_slice %arg8[%dma_start3A_93, %dma_start3A_94] : memref<10000x32xf32, #tpu.memory_space<vmem_shared>> -> memref<10000x32xf32, #tpu.memory_space<vmem_shared>>
    tpu.enqueue_indirect_dma source(%dma_start3A_95 : memref<10000x32xf32, #tpu.memory_space<vmem_shared>>) target(%arg11 : memref<80x32xf32, #tpu.memory_space<vmem>>) offsets(%dma_start3A_92 : memref<80xi32, #tpu.memory_space<vmem>>) semaphore(%arg15 : memref<!tpu.dma_semaphore, #tpu.memory_space<semaphore_mem>>)
    %dma_wait3A_96 = arith.constant 123 : i32
    %dma_wait3A_97 = arith.constant 0 : i32
    %dma_wait3A_98 = tpu.memref_slice %arg9[%dma_wait3A_96, %dma_wait3A_97] : memref<125x80xi32, #tpu.memory_space<vmem>> -> memref<1x80xi32, #tpu.memory_space<vmem>>
    %dma_wait3A_99 = tpu.memref_squeeze %dma_wait3A_98 : memref<1x80xi32, #tpu.memory_space<vmem>> -> memref<80xi32, #tpu.memory_space<vmem>>
    %dma_wait3A_100 = arith.constant 0 : i32
    %dma_wait3A_101 = arith.constant 0 : i32
    %dma_wait3A_102 = tpu.memref_slice %arg8[%dma_wait3A_100, %dma_wait3A_101] : memref<10000x32xf32, #tpu.memory_space<vmem_shared>> -> memref<10000x32xf32, #tpu.memory_space<vmem_shared>>
    tpu.wait_indirect_dma semaphore(%arg18 : memref<!tpu.dma_semaphore, #tpu.memory_space<semaphore_mem>>) src(%dma_wait3A_102 : memref<10000x32xf32, #tpu.memory_space<vmem_shared>>) dst(%arg14 : memref<80x32xf32, #tpu.memory_space<vmem>>)
    %dma_start3A_103 = arith.constant 123 : i32
    %dma_start3A_104 = arith.constant 0 : i32
    %dma_start3A_105 = tpu.memref_slice %arg10[%dma_start3A_103, %dma_start3A_104] : memref<125x80xi32, #tpu.memory_space<vmem>> -> memref<1x80xi32, #tpu.memory_space<vmem>>
    %dma_start3A_106 = tpu.memref_squeeze %dma_start3A_105 : memref<1x80xi32, #tpu.memory_space<vmem>> -> memref<80xi32, #tpu.memory_space<vmem>>
    %dma_start3A_107 = arith.constant 0 : i32
    %dma_start3A_108 = arith.constant 0 : i32
    %dma_start3A_109 = tpu.memref_slice %arg7[%dma_start3A_107, %dma_start3A_108] : memref<10240x32xf32, #tpu.memory_space<vmem_shared>> -> memref<10240x32xf32, #tpu.memory_space<vmem_shared>>
    tpu.enqueue_indirect_dma source(%arg14 : memref<80x32xf32, #tpu.memory_space<vmem>>) target(%dma_start3A_109 : memref<10240x32xf32, #tpu.memory_space<vmem_shared>>) offsets(%dma_start3A_106 : memref<80xi32, #tpu.memory_space<vmem>>) semaphore(%arg22 : memref<!tpu.dma_semaphore, #tpu.memory_space<semaphore_mem>>) {add = true}
    %dma_wait3A_110 = arith.constant 121 : i32
    %dma_wait3A_111 = arith.constant 0 : i32
    %dma_wait3A_112 = tpu.memref_slice %arg10[%dma_wait3A_110, %dma_wait3A_111] : memref<125x80xi32, #tpu.memory_space<vmem>> -> memref<1x80xi32, #tpu.memory_space<vmem>>
    %dma_wait3A_113 = tpu.memref_squeeze %dma_wait3A_112 : memref<1x80xi32, #tpu.memory_space<vmem>> -> memref<80xi32, #tpu.memory_space<vmem>>
    %dma_wait3A_114 = arith.constant 0 : i32
    %dma_wait3A_115 = arith.constant 0 : i32
    %dma_wait3A_116 = tpu.memref_slice %arg7[%dma_wait3A_114, %dma_wait3A_115] : memref<10240x32xf32, #tpu.memory_space<vmem_shared>> -> memref<10240x32xf32, #tpu.memory_space<vmem_shared>>
    tpu.wait_indirect_dma semaphore(%arg20 : memref<!tpu.dma_semaphore, #tpu.memory_space<semaphore_mem>>) src(%arg12 : memref<80x32xf32, #tpu.memory_space<vmem>>) dst(%dma_wait3A_116 : memref<10240x32xf32, #tpu.memory_space<vmem_shared>>)
    %dma_wait3A_117 = arith.constant 124 : i32
    %dma_wait3A_118 = arith.constant 0 : i32
    %dma_wait3A_119 = tpu.memref_slice %arg9[%dma_wait3A_117, %dma_wait3A_118] : memref<125x80xi32, #tpu.memory_space<vmem>> -> memref<1x80xi32, #tpu.memory_space<vmem>>
    %dma_wait3A_120 = tpu.memref_squeeze %dma_wait3A_119 : memref<1x80xi32, #tpu.memory_space<vmem>> -> memref<80xi32, #tpu.memory_space<vmem>>
    %dma_wait3A_121 = arith.constant 0 : i32
    %dma_wait3A_122 = arith.constant 0 : i32
    %dma_wait3A_123 = tpu.memref_slice %arg8[%dma_wait3A_121, %dma_wait3A_122] : memref<10000x32xf32, #tpu.memory_space<vmem_shared>> -> memref<10000x32xf32, #tpu.memory_space<vmem_shared>>
    tpu.wait_indirect_dma semaphore(%arg15 : memref<!tpu.dma_semaphore, #tpu.memory_space<semaphore_mem>>) src(%dma_wait3A_123 : memref<10000x32xf32, #tpu.memory_space<vmem_shared>>) dst(%arg11 : memref<80x32xf32, #tpu.memory_space<vmem>>)
    %dma_start3A_124 = arith.constant 124 : i32
    %dma_start3A_125 = arith.constant 0 : i32
    %dma_start3A_126 = tpu.memref_slice %arg10[%dma_start3A_124, %dma_start3A_125] : memref<125x80xi32, #tpu.memory_space<vmem>> -> memref<1x80xi32, #tpu.memory_space<vmem>>
    %dma_start3A_127 = tpu.memref_squeeze %dma_start3A_126 : memref<1x80xi32, #tpu.memory_space<vmem>> -> memref<80xi32, #tpu.memory_space<vmem>>
    %dma_start3A_128 = arith.constant 0 : i32
    %dma_start3A_129 = arith.constant 0 : i32
    %dma_start3A_130 = tpu.memref_slice %arg7[%dma_start3A_128, %dma_start3A_129] : memref<10240x32xf32, #tpu.memory_space<vmem_shared>> -> memref<10240x32xf32, #tpu.memory_space<vmem_shared>>
    tpu.enqueue_indirect_dma source(%arg11 : memref<80x32xf32, #tpu.memory_space<vmem>>) target(%dma_start3A_130 : memref<10240x32xf32, #tpu.memory_space<vmem_shared>>) offsets(%dma_start3A_127 : memref<80xi32, #tpu.memory_space<vmem>>) semaphore(%arg19 : memref<!tpu.dma_semaphore, #tpu.memory_space<semaphore_mem>>) {add = true}
    %dma_wait3A_131 = arith.constant 122 : i32
    %dma_wait3A_132 = arith.constant 0 : i32
    %dma_wait3A_133 = tpu.memref_slice %arg10[%dma_wait3A_131, %dma_wait3A_132] : memref<125x80xi32, #tpu.memory_space<vmem>> -> memref<1x80xi32, #tpu.memory_space<vmem>>
    %dma_wait3A_134 = tpu.memref_squeeze %dma_wait3A_133 : memref<1x80xi32, #tpu.memory_space<vmem>> -> memref<80xi32, #tpu.memory_space<vmem>>
    %dma_wait3A_135 = arith.constant 0 : i32
    %dma_wait3A_136 = arith.constant 0 : i32
    %dma_wait3A_137 = tpu.memref_slice %arg7[%dma_wait3A_135, %dma_wait3A_136] : memref<10240x32xf32, #tpu.memory_space<vmem_shared>> -> memref<10240x32xf32, #tpu.memory_space<vmem_shared>>
    tpu.wait_indirect_dma semaphore(%arg21 : memref<!tpu.dma_semaphore, #tpu.memory_space<semaphore_mem>>) src(%arg13 : memref<80x32xf32, #tpu.memory_space<vmem>>) dst(%dma_wait3A_137 : memref<10240x32xf32, #tpu.memory_space<vmem_shared>>)
    %dma_wait3A_138 = arith.constant 123 : i32
    %dma_wait3A_139 = arith.constant 0 : i32
    %dma_wait3A_140 = tpu.memref_slice %arg10[%dma_wait3A_138, %dma_wait3A_139] : memref<125x80xi32, #tpu.memory_space<vmem>> -> memref<1x80xi32, #tpu.memory_space<vmem>>
    %dma_wait3A_141 = tpu.memref_squeeze %dma_wait3A_140 : memref<1x80xi32, #tpu.memory_space<vmem>> -> memref<80xi32, #tpu.memory_space<vmem>>
    %dma_wait3A_142 = arith.constant 0 : i32
    %dma_wait3A_143 = arith.constant 0 : i32
    %dma_wait3A_144 = tpu.memref_slice %arg7[%dma_wait3A_142, %dma_wait3A_143] : memref<10240x32xf32, #tpu.memory_space<vmem_shared>> -> memref<10240x32xf32, #tpu.memory_space<vmem_shared>>
    tpu.wait_indirect_dma semaphore(%arg22 : memref<!tpu.dma_semaphore, #tpu.memory_space<semaphore_mem>>) src(%arg14 : memref<80x32xf32, #tpu.memory_space<vmem>>) dst(%dma_wait3A_144 : memref<10240x32xf32, #tpu.memory_space<vmem_shared>>)
    %dma_wait3A_145 = arith.constant 124 : i32
    %dma_wait3A_146 = arith.constant 0 : i32
    %dma_wait3A_147 = tpu.memref_slice %arg10[%dma_wait3A_145, %dma_wait3A_146] : memref<125x80xi32, #tpu.memory_space<vmem>> -> memref<1x80xi32, #tpu.memory_space<vmem>>
    %dma_wait3A_148 = tpu.memref_squeeze %dma_wait3A_147 : memref<1x80xi32, #tpu.memory_space<vmem>> -> memref<80xi32, #tpu.memory_space<vmem>>
    %dma_wait3A_149 = arith.constant 0 : i32
    %dma_wait3A_150 = arith.constant 0 : i32
    %dma_wait3A_151 = tpu.memref_slice %arg7[%dma_wait3A_149, %dma_wait3A_150] : memref<10240x32xf32, #tpu.memory_space<vmem_shared>> -> memref<10240x32xf32, #tpu.memory_space<vmem_shared>>
    tpu.wait_indirect_dma semaphore(%arg19 : memref<!tpu.dma_semaphore, #tpu.memory_space<semaphore_mem>>) src(%arg11 : memref<80x32xf32, #tpu.memory_space<vmem>>) dst(%dma_wait3A_151 : memref<10240x32xf32, #tpu.memory_space<vmem_shared>>)
    %barrier3A_152 = arith.constant 0 : index
    tpu.barrier barrier_id(%barrier3A_152)
    %mul3A_153 = arith.constant 640 : i32
    %mul3A_154 = arith.muli %arg1, %mul3A_153 : i32
    %mul3A_155 = arith.constant 640 : i32
    %mul3A_156 = arith.muli %arg1, %mul3A_155 : i32
    "tpu.region"() ({
      %run_scoped3A = tpu.sem_alloc : memref<!tpu.dma_semaphore, #tpu.memory_space<semaphore_mem>>
      %dma_start3A_157 = arith.constant 0 : i32
      %dma_start3A_158 = tpu.memref_slice %arg6[%arg0, %mul3A_156, %dma_start3A_157] : memref<2x10240x32xf32, #tpu.memory_space<hbm>> -> memref<1x640x32xf32, #tpu.memory_space<hbm>>
      %dma_start3A_159 = tpu.memref_squeeze %dma_start3A_158 : memref<1x640x32xf32, #tpu.memory_space<hbm>> -> memref<640x32xf32, #tpu.memory_space<hbm>>
      %dma_start3A_160 = arith.constant 0 : i32
      %dma_start3A_161 = tpu.memref_slice %arg7[%mul3A_154, %dma_start3A_160] : memref<10240x32xf32, #tpu.memory_space<vmem_shared>> -> memref<640x32xf32, #tpu.memory_space<vmem_shared>>
      tpu.enqueue_dma source(%dma_start3A_161 : memref<640x32xf32, #tpu.memory_space<vmem_shared>>) target(%dma_start3A_159 : memref<640x32xf32, #tpu.memory_space<hbm>>) target_semaphore(%run_scoped3A : memref<!tpu.dma_semaphore, #tpu.memory_space<semaphore_mem>>)
      %dma_wait3A_162 = arith.constant 0 : i32
      %dma_wait3A_163 = tpu.memref_slice %arg6[%arg0, %mul3A_156, %dma_wait3A_162] : memref<2x10240x32xf32, #tpu.memory_space<hbm>> -> memref<1x640x32xf32, #tpu.memory_space<hbm>>
      %dma_wait3A_164 = tpu.memref_squeeze %dma_wait3A_163 : memref<1x640x32xf32, #tpu.memory_space<hbm>> -> memref<640x32xf32, #tpu.memory_space<hbm>>
      %dma_wait3A_165 = arith.constant 0 : i32
      %dma_wait3A_166 = tpu.memref_slice %arg7[%mul3A_154, %dma_wait3A_165] : memref<10240x32xf32, #tpu.memory_space<vmem_shared>> -> memref<640x32xf32, #tpu.memory_space<vmem_shared>>
      tpu.wait_dma2 semaphore(%run_scoped3A : memref<!tpu.dma_semaphore, #tpu.memory_space<semaphore_mem>>) src(%dma_wait3A_166 : memref<640x32xf32, #tpu.memory_space<vmem_shared>>) dst(%dma_wait3A_164 : memref<640x32xf32, #tpu.memory_space<hbm>>)
      tpu.yield
    }) : () -> ()
    return
  }
}

#map = affine_map<(d0, d1) -> (0, 0)>
#map1 = affine_map<(d0, d1) -> (0, 0, 0)>
module attributes {stable_mosaic.version = 14 : i64} {
  func.func @lap_kernel(%arg0: i32, %arg1: i32, %arg2: memref<10000x32xf32, #tpu.memory_space<hbm>>, %arg3: memref<32x125x80xi32, #tpu.memory_space<hbm>>, %arg4: memref<32x125x80xi32, #tpu.memory_space<hbm>>, %arg5: memref<10240x32xf32, #tpu.memory_space<hbm>>, %arg6: memref<2x10240x32xf32, #tpu.memory_space<hbm>>, %arg7: memref<10240x32xf32, #tpu.memory_space<vmem_shared>>, %arg8: memref<10000x32xf32, #tpu.memory_space<vmem_shared>>, %arg9: memref<125x80xi32, #tpu.memory_space<vmem>>, %arg10: memref<125x80xi32, #tpu.memory_space<vmem>>, %arg11: memref<80x32xf32, #tpu.memory_space<vmem>>, %arg12: memref<80x32xf32, #tpu.memory_space<vmem>>, %arg13: memref<80x32xf32, #tpu.memory_space<vmem>>, %arg14: memref<80x32xf32, #tpu.memory_space<vmem>>, %arg15: memref<!tpu.dma_semaphore, #tpu.memory_space<semaphore_mem>>, %arg16: memref<!tpu.dma_semaphore, #tpu.memory_space<semaphore_mem>>, %arg17: memref<!tpu.dma_semaphore, #tpu.memory_space<semaphore_mem>>, %arg18: memref<!tpu.dma_semaphore, #tpu.memory_space<semaphore_mem>>, %arg19: memref<!tpu.dma_semaphore, #tpu.memory_space<semaphore_mem>>, %arg20: memref<!tpu.dma_semaphore, #tpu.memory_space<semaphore_mem>>, %arg21: memref<!tpu.dma_semaphore, #tpu.memory_space<semaphore_mem>>, %arg22: memref<!tpu.dma_semaphore, #tpu.memory_space<semaphore_mem>>) attributes {dimension_semantics = [#tpu.dimension_semantics<core_parallel>, #tpu.dimension_semantics<subcore_parallel>], iteration_bounds = array<i64: 2, 16>, scalar_prefetch = 0 : i64, scratch_operands = 16 : i64, tpu.core_type = #tpu.core_type<sc_vector_subcore>, window_params = [{transform_indices = #map}, {transform_indices = #map1}, {transform_indices = #map1}, {transform_indices = #map}, {transform_indices = #map1}]} {
    %mul3A = arith.constant 16 : i32
    %mul3A_0 = arith.muli %arg0, %mul3A : i32
    %add3A = arith.addi %mul3A_0, %arg1 : i32
    %mul3A_1 = arith.constant 640 : i32
    %mul3A_2 = arith.muli %arg1, %mul3A_1 : i32
    %mul3A_3 = arith.constant 640 : i32
    %mul3A_4 = arith.muli %arg1, %mul3A_3 : i32
    "tpu.region"() ({
      %run_scoped3A = tpu.sem_alloc : memref<!tpu.dma_semaphore, #tpu.memory_space<semaphore_mem>>
      %dma_start3A_157 = arith.constant 0 : i32
      %dma_start3A_158 = tpu.memref_slice %arg7[%mul3A_4, %dma_start3A_157] : memref<10240x32xf32, #tpu.memory_space<vmem_shared>> -> memref<640x32xf32, #tpu.memory_space<vmem_shared>>
      %dma_start3A_159 = arith.constant 0 : i32
      %dma_start3A_160 = tpu.memref_slice %arg5[%mul3A_2, %dma_start3A_159] : memref<10240x32xf32, #tpu.memory_space<hbm>> -> memref<640x32xf32, #tpu.memory_space<hbm>>
      tpu.enqueue_dma source(%dma_start3A_160 : memref<640x32xf32, #tpu.memory_space<hbm>>) target(%dma_start3A_158 : memref<640x32xf32, #tpu.memory_space<vmem_shared>>) target_semaphore(%run_scoped3A : memref<!tpu.dma_semaphore, #tpu.memory_space<semaphore_mem>>)
      %dma_wait3A_161 = arith.constant 0 : i32
      %dma_wait3A_162 = tpu.memref_slice %arg7[%mul3A_4, %dma_wait3A_161] : memref<10240x32xf32, #tpu.memory_space<vmem_shared>> -> memref<640x32xf32, #tpu.memory_space<vmem_shared>>
      %dma_wait3A_163 = arith.constant 0 : i32
      %dma_wait3A_164 = tpu.memref_slice %arg5[%mul3A_2, %dma_wait3A_163] : memref<10240x32xf32, #tpu.memory_space<hbm>> -> memref<640x32xf32, #tpu.memory_space<hbm>>
      tpu.wait_dma2 semaphore(%run_scoped3A : memref<!tpu.dma_semaphore, #tpu.memory_space<semaphore_mem>>) src(%dma_wait3A_164 : memref<640x32xf32, #tpu.memory_space<hbm>>) dst(%dma_wait3A_162 : memref<640x32xf32, #tpu.memory_space<vmem_shared>>)
      tpu.yield
    }) : () -> ()
    %mul3A_5 = arith.constant 625 : i32
    %mul3A_6 = arith.muli %arg1, %mul3A_5 : i32
    %mul3A_7 = arith.constant 625 : i32
    %mul3A_8 = arith.muli %arg1, %mul3A_7 : i32
    "tpu.region"() ({
      %run_scoped3A = tpu.sem_alloc : memref<!tpu.dma_semaphore, #tpu.memory_space<semaphore_mem>>
      %dma_start3A_157 = arith.constant 0 : i32
      %dma_start3A_158 = tpu.memref_slice %arg8[%mul3A_8, %dma_start3A_157] : memref<10000x32xf32, #tpu.memory_space<vmem_shared>> -> memref<625x32xf32, #tpu.memory_space<vmem_shared>>
      %dma_start3A_159 = arith.constant 0 : i32
      %dma_start3A_160 = tpu.memref_slice %arg2[%mul3A_6, %dma_start3A_159] : memref<10000x32xf32, #tpu.memory_space<hbm>> -> memref<625x32xf32, #tpu.memory_space<hbm>>
      tpu.enqueue_dma source(%dma_start3A_160 : memref<625x32xf32, #tpu.memory_space<hbm>>) target(%dma_start3A_158 : memref<625x32xf32, #tpu.memory_space<vmem_shared>>) target_semaphore(%run_scoped3A : memref<!tpu.dma_semaphore, #tpu.memory_space<semaphore_mem>>)
      %dma_wait3A_161 = arith.constant 0 : i32
      %dma_wait3A_162 = tpu.memref_slice %arg8[%mul3A_8, %dma_wait3A_161] : memref<10000x32xf32, #tpu.memory_space<vmem_shared>> -> memref<625x32xf32, #tpu.memory_space<vmem_shared>>
      %dma_wait3A_163 = arith.constant 0 : i32
      %dma_wait3A_164 = tpu.memref_slice %arg2[%mul3A_6, %dma_wait3A_163] : memref<10000x32xf32, #tpu.memory_space<hbm>> -> memref<625x32xf32, #tpu.memory_space<hbm>>
      tpu.wait_dma2 semaphore(%run_scoped3A : memref<!tpu.dma_semaphore, #tpu.memory_space<semaphore_mem>>) src(%dma_wait3A_164 : memref<625x32xf32, #tpu.memory_space<hbm>>) dst(%dma_wait3A_162 : memref<625x32xf32, #tpu.memory_space<vmem_shared>>)
      tpu.yield
    }) : () -> ()
    "tpu.region"() ({
      %run_scoped3A = tpu.sem_alloc : memref<!tpu.dma_semaphore, #tpu.memory_space<semaphore_mem>>
      %dma_start3A_157 = arith.constant 0 : i32
      %dma_start3A_158 = arith.constant 0 : i32
      %dma_start3A_159 = tpu.memref_slice %arg3[%add3A, %dma_start3A_157, %dma_start3A_158] : memref<32x125x80xi32, #tpu.memory_space<hbm>> -> memref<1x125x80xi32, #tpu.memory_space<hbm>>
      %dma_start3A_160 = tpu.memref_squeeze %dma_start3A_159 : memref<1x125x80xi32, #tpu.memory_space<hbm>> -> memref<125x80xi32, #tpu.memory_space<hbm>>
      %dma_start3A_161 = arith.constant 0 : i32
      %dma_start3A_162 = arith.constant 0 : i32
      %dma_start3A_163 = tpu.memref_slice %arg3[%add3A, %dma_start3A_161, %dma_start3A_162] : memref<32x125x80xi32, #tpu.memory_space<hbm>> -> memref<1x125x80xi32, #tpu.memory_space<hbm>>
      %dma_start3A_164 = tpu.memref_squeeze %dma_start3A_163 : memref<1x125x80xi32, #tpu.memory_space<hbm>> -> memref<125x80xi32, #tpu.memory_space<hbm>>
      tpu.enqueue_dma source(%dma_start3A_164 : memref<125x80xi32, #tpu.memory_space<hbm>>) target(%arg9 : memref<125x80xi32, #tpu.memory_space<vmem>>) target_semaphore(%run_scoped3A : memref<!tpu.dma_semaphore, #tpu.memory_space<semaphore_mem>>)
      %dma_wait3A_165 = arith.constant 0 : i32
      %dma_wait3A_166 = arith.constant 0 : i32
      %dma_wait3A_167 = tpu.memref_slice %arg3[%add3A, %dma_wait3A_165, %dma_wait3A_166] : memref<32x125x80xi32, #tpu.memory_space<hbm>> -> memref<1x125x80xi32, #tpu.memory_space<hbm>>
      %dma_wait3A_168 = tpu.memref_squeeze %dma_wait3A_167 : memref<1x125x80xi32, #tpu.memory_space<hbm>> -> memref<125x80xi32, #tpu.memory_space<hbm>>
      %dma_wait3A_169 = arith.constant 0 : i32
      %dma_wait3A_170 = arith.constant 0 : i32
      %dma_wait3A_171 = tpu.memref_slice %arg3[%add3A, %dma_wait3A_169, %dma_wait3A_170] : memref<32x125x80xi32, #tpu.memory_space<hbm>> -> memref<1x125x80xi32, #tpu.memory_space<hbm>>
      %dma_wait3A_172 = tpu.memref_squeeze %dma_wait3A_171 : memref<1x125x80xi32, #tpu.memory_space<hbm>> -> memref<125x80xi32, #tpu.memory_space<hbm>>
      tpu.wait_dma2 semaphore(%run_scoped3A : memref<!tpu.dma_semaphore, #tpu.memory_space<semaphore_mem>>) src(%dma_wait3A_172 : memref<125x80xi32, #tpu.memory_space<hbm>>) dst(%arg9 : memref<125x80xi32, #tpu.memory_space<vmem>>)
      tpu.yield
    }) : () -> ()
    "tpu.region"() ({
      %run_scoped3A = tpu.sem_alloc : memref<!tpu.dma_semaphore, #tpu.memory_space<semaphore_mem>>
      %dma_start3A_157 = arith.constant 0 : i32
      %dma_start3A_158 = arith.constant 0 : i32
      %dma_start3A_159 = tpu.memref_slice %arg4[%add3A, %dma_start3A_157, %dma_start3A_158] : memref<32x125x80xi32, #tpu.memory_space<hbm>> -> memref<1x125x80xi32, #tpu.memory_space<hbm>>
      %dma_start3A_160 = tpu.memref_squeeze %dma_start3A_159 : memref<1x125x80xi32, #tpu.memory_space<hbm>> -> memref<125x80xi32, #tpu.memory_space<hbm>>
      %dma_start3A_161 = arith.constant 0 : i32
      %dma_start3A_162 = arith.constant 0 : i32
      %dma_start3A_163 = tpu.memref_slice %arg4[%add3A, %dma_start3A_161, %dma_start3A_162] : memref<32x125x80xi32, #tpu.memory_space<hbm>> -> memref<1x125x80xi32, #tpu.memory_space<hbm>>
      %dma_start3A_164 = tpu.memref_squeeze %dma_start3A_163 : memref<1x125x80xi32, #tpu.memory_space<hbm>> -> memref<125x80xi32, #tpu.memory_space<hbm>>
      tpu.enqueue_dma source(%dma_start3A_164 : memref<125x80xi32, #tpu.memory_space<hbm>>) target(%arg10 : memref<125x80xi32, #tpu.memory_space<vmem>>) target_semaphore(%run_scoped3A : memref<!tpu.dma_semaphore, #tpu.memory_space<semaphore_mem>>)
      %dma_wait3A_165 = arith.constant 0 : i32
      %dma_wait3A_166 = arith.constant 0 : i32
      %dma_wait3A_167 = tpu.memref_slice %arg4[%add3A, %dma_wait3A_165, %dma_wait3A_166] : memref<32x125x80xi32, #tpu.memory_space<hbm>> -> memref<1x125x80xi32, #tpu.memory_space<hbm>>
      %dma_wait3A_168 = tpu.memref_squeeze %dma_wait3A_167 : memref<1x125x80xi32, #tpu.memory_space<hbm>> -> memref<125x80xi32, #tpu.memory_space<hbm>>
      %dma_wait3A_169 = arith.constant 0 : i32
      %dma_wait3A_170 = arith.constant 0 : i32
      %dma_wait3A_171 = tpu.memref_slice %arg4[%add3A, %dma_wait3A_169, %dma_wait3A_170] : memref<32x125x80xi32, #tpu.memory_space<hbm>> -> memref<1x125x80xi32, #tpu.memory_space<hbm>>
      %dma_wait3A_172 = tpu.memref_squeeze %dma_wait3A_171 : memref<1x125x80xi32, #tpu.memory_space<hbm>> -> memref<125x80xi32, #tpu.memory_space<hbm>>
      tpu.wait_dma2 semaphore(%run_scoped3A : memref<!tpu.dma_semaphore, #tpu.memory_space<semaphore_mem>>) src(%dma_wait3A_172 : memref<125x80xi32, #tpu.memory_space<hbm>>) dst(%arg10 : memref<125x80xi32, #tpu.memory_space<vmem>>)
      tpu.yield
    }) : () -> ()
    %barrier3A = arith.constant 0 : index
    tpu.barrier barrier_id(%barrier3A)
    %dma_start3A = arith.constant 0 : i32
    %dma_start3A_9 = arith.constant 0 : i32
    %dma_start3A_10 = tpu.memref_slice %arg9[%dma_start3A, %dma_start3A_9] : memref<125x80xi32, #tpu.memory_space<vmem>> -> memref<1x80xi32, #tpu.memory_space<vmem>>
    %dma_start3A_11 = tpu.memref_squeeze %dma_start3A_10 : memref<1x80xi32, #tpu.memory_space<vmem>> -> memref<80xi32, #tpu.memory_space<vmem>>
    %dma_start3A_12 = arith.constant 0 : i32
    %dma_start3A_13 = arith.constant 0 : i32
    %dma_start3A_14 = tpu.memref_slice %arg8[%dma_start3A_12, %dma_start3A_13] : memref<10000x32xf32, #tpu.memory_space<vmem_shared>> -> memref<10000x32xf32, #tpu.memory_space<vmem_shared>>
    tpu.enqueue_indirect_dma source(%dma_start3A_14 : memref<10000x32xf32, #tpu.memory_space<vmem_shared>>) target(%arg11 : memref<80x32xf32, #tpu.memory_space<vmem>>) offsets(%dma_start3A_11 : memref<80xi32, #tpu.memory_space<vmem>>) semaphore(%arg15 : memref<!tpu.dma_semaphore, #tpu.memory_space<semaphore_mem>>)
    %dma_start3A_15 = arith.constant 1 : i32
    %dma_start3A_16 = arith.constant 0 : i32
    %dma_start3A_17 = tpu.memref_slice %arg9[%dma_start3A_15, %dma_start3A_16] : memref<125x80xi32, #tpu.memory_space<vmem>> -> memref<1x80xi32, #tpu.memory_space<vmem>>
    %dma_start3A_18 = tpu.memref_squeeze %dma_start3A_17 : memref<1x80xi32, #tpu.memory_space<vmem>> -> memref<80xi32, #tpu.memory_space<vmem>>
    %dma_start3A_19 = arith.constant 0 : i32
    %dma_start3A_20 = arith.constant 0 : i32
    %dma_start3A_21 = tpu.memref_slice %arg8[%dma_start3A_19, %dma_start3A_20] : memref<10000x32xf32, #tpu.memory_space<vmem_shared>> -> memref<10000x32xf32, #tpu.memory_space<vmem_shared>>
    tpu.enqueue_indirect_dma source(%dma_start3A_21 : memref<10000x32xf32, #tpu.memory_space<vmem_shared>>) target(%arg12 : memref<80x32xf32, #tpu.memory_space<vmem>>) offsets(%dma_start3A_18 : memref<80xi32, #tpu.memory_space<vmem>>) semaphore(%arg16 : memref<!tpu.dma_semaphore, #tpu.memory_space<semaphore_mem>>)
    %dma_wait3A = arith.constant 0 : i32
    %dma_wait3A_22 = arith.constant 0 : i32
    %dma_wait3A_23 = tpu.memref_slice %arg9[%dma_wait3A, %dma_wait3A_22] : memref<125x80xi32, #tpu.memory_space<vmem>> -> memref<1x80xi32, #tpu.memory_space<vmem>>
    %dma_wait3A_24 = tpu.memref_squeeze %dma_wait3A_23 : memref<1x80xi32, #tpu.memory_space<vmem>> -> memref<80xi32, #tpu.memory_space<vmem>>
    %dma_wait3A_25 = arith.constant 0 : i32
    %dma_wait3A_26 = arith.constant 0 : i32
    %dma_wait3A_27 = tpu.memref_slice %arg8[%dma_wait3A_25, %dma_wait3A_26] : memref<10000x32xf32, #tpu.memory_space<vmem_shared>> -> memref<10000x32xf32, #tpu.memory_space<vmem_shared>>
    tpu.wait_indirect_dma semaphore(%arg15 : memref<!tpu.dma_semaphore, #tpu.memory_space<semaphore_mem>>) src(%dma_wait3A_27 : memref<10000x32xf32, #tpu.memory_space<vmem_shared>>) dst(%arg11 : memref<80x32xf32, #tpu.memory_space<vmem>>)
    %dma_start3A_28 = arith.constant 0 : i32
    %dma_start3A_29 = arith.constant 0 : i32
    %dma_start3A_30 = tpu.memref_slice %arg10[%dma_start3A_28, %dma_start3A_29] : memref<125x80xi32, #tpu.memory_space<vmem>> -> memref<1x80xi32, #tpu.memory_space<vmem>>
    %dma_start3A_31 = tpu.memref_squeeze %dma_start3A_30 : memref<1x80xi32, #tpu.memory_space<vmem>> -> memref<80xi32, #tpu.memory_space<vmem>>
    %dma_start3A_32 = arith.constant 0 : i32
    %dma_start3A_33 = arith.constant 0 : i32
    %dma_start3A_34 = tpu.memref_slice %arg7[%dma_start3A_32, %dma_start3A_33] : memref<10240x32xf32, #tpu.memory_space<vmem_shared>> -> memref<10240x32xf32, #tpu.memory_space<vmem_shared>>
    tpu.enqueue_indirect_dma source(%arg11 : memref<80x32xf32, #tpu.memory_space<vmem>>) target(%dma_start3A_34 : memref<10240x32xf32, #tpu.memory_space<vmem_shared>>) offsets(%dma_start3A_31 : memref<80xi32, #tpu.memory_space<vmem>>) semaphore(%arg19 : memref<!tpu.dma_semaphore, #tpu.memory_space<semaphore_mem>>) {add = true}
    %dma_start3A_35 = arith.constant 2 : i32
    %dma_start3A_36 = arith.constant 0 : i32
    %dma_start3A_37 = tpu.memref_slice %arg9[%dma_start3A_35, %dma_start3A_36] : memref<125x80xi32, #tpu.memory_space<vmem>> -> memref<1x80xi32, #tpu.memory_space<vmem>>
    %dma_start3A_38 = tpu.memref_squeeze %dma_start3A_37 : memref<1x80xi32, #tpu.memory_space<vmem>> -> memref<80xi32, #tpu.memory_space<vmem>>
    %dma_start3A_39 = arith.constant 0 : i32
    %dma_start3A_40 = arith.constant 0 : i32
    %dma_start3A_41 = tpu.memref_slice %arg8[%dma_start3A_39, %dma_start3A_40] : memref<10000x32xf32, #tpu.memory_space<vmem_shared>> -> memref<10000x32xf32, #tpu.memory_space<vmem_shared>>
    tpu.enqueue_indirect_dma source(%dma_start3A_41 : memref<10000x32xf32, #tpu.memory_space<vmem_shared>>) target(%arg13 : memref<80x32xf32, #tpu.memory_space<vmem>>) offsets(%dma_start3A_38 : memref<80xi32, #tpu.memory_space<vmem>>) semaphore(%arg17 : memref<!tpu.dma_semaphore, #tpu.memory_space<semaphore_mem>>)
    %dma_wait3A_42 = arith.constant 1 : i32
    %dma_wait3A_43 = arith.constant 0 : i32
    %dma_wait3A_44 = tpu.memref_slice %arg9[%dma_wait3A_42, %dma_wait3A_43] : memref<125x80xi32, #tpu.memory_space<vmem>> -> memref<1x80xi32, #tpu.memory_space<vmem>>
    %dma_wait3A_45 = tpu.memref_squeeze %dma_wait3A_44 : memref<1x80xi32, #tpu.memory_space<vmem>> -> memref<80xi32, #tpu.memory_space<vmem>>
    %dma_wait3A_46 = arith.constant 0 : i32
    %dma_wait3A_47 = arith.constant 0 : i32
    %dma_wait3A_48 = tpu.memref_slice %arg8[%dma_wait3A_46, %dma_wait3A_47] : memref<10000x32xf32, #tpu.memory_space<vmem_shared>> -> memref<10000x32xf32, #tpu.memory_space<vmem_shared>>
    tpu.wait_indirect_dma semaphore(%arg16 : memref<!tpu.dma_semaphore, #tpu.memory_space<semaphore_mem>>) src(%dma_wait3A_48 : memref<10000x32xf32, #tpu.memory_space<vmem_shared>>) dst(%arg12 : memref<80x32xf32, #tpu.memory_space<vmem>>)
    %dma_start3A_49 = arith.constant 1 : i32
    %dma_start3A_50 = arith.constant 0 : i32
    %dma_start3A_51 = tpu.memref_slice %arg10[%dma_start3A_49, %dma_start3A_50] : memref<125x80xi32, #tpu.memory_space<vmem>> -> memref<1x80xi32, #tpu.memory_space<vmem>>
    %dma_start3A_52 = tpu.memref_squeeze %dma_start3A_51 : memref<1x80xi32, #tpu.memory_space<vmem>> -> memref<80xi32, #tpu.memory_space<vmem>>
    %dma_start3A_53 = arith.constant 0 : i32
    %dma_start3A_54 = arith.constant 0 : i32
    %dma_start3A_55 = tpu.memref_slice %arg7[%dma_start3A_53, %dma_start3A_54] : memref<10240x32xf32, #tpu.memory_space<vmem_shared>> -> memref<10240x32xf32, #tpu.memory_space<vmem_shared>>
    tpu.enqueue_indirect_dma source(%arg12 : memref<80x32xf32, #tpu.memory_space<vmem>>) target(%dma_start3A_55 : memref<10240x32xf32, #tpu.memory_space<vmem_shared>>) offsets(%dma_start3A_52 : memref<80xi32, #tpu.memory_space<vmem>>) semaphore(%arg20 : memref<!tpu.dma_semaphore, #tpu.memory_space<semaphore_mem>>) {add = true}
    %dma_start3A_56 = arith.constant 3 : i32
    %dma_start3A_57 = arith.constant 0 : i32
    %dma_start3A_58 = tpu.memref_slice %arg9[%dma_start3A_56, %dma_start3A_57] : memref<125x80xi32, #tpu.memory_space<vmem>> -> memref<1x80xi32, #tpu.memory_space<vmem>>
    %dma_start3A_59 = tpu.memref_squeeze %dma_start3A_58 : memref<1x80xi32, #tpu.memory_space<vmem>> -> memref<80xi32, #tpu.memory_space<vmem>>
    %dma_start3A_60 = arith.constant 0 : i32
    %dma_start3A_61 = arith.constant 0 : i32
    %dma_start3A_62 = tpu.memref_slice %arg8[%dma_start3A_60, %dma_start3A_61] : memref<10000x32xf32, #tpu.memory_space<vmem_shared>> -> memref<10000x32xf32, #tpu.memory_space<vmem_shared>>
    tpu.enqueue_indirect_dma source(%dma_start3A_62 : memref<10000x32xf32, #tpu.memory_space<vmem_shared>>) target(%arg14 : memref<80x32xf32, #tpu.memory_space<vmem>>) offsets(%dma_start3A_59 : memref<80xi32, #tpu.memory_space<vmem>>) semaphore(%arg18 : memref<!tpu.dma_semaphore, #tpu.memory_space<semaphore_mem>>)
    %scan3A = arith.constant 0 : i32
    %scan3A_63 = arith.constant 0 : i32
    %scan3A_64 = arith.constant 30 : i32
    %scan3A_65 = arith.addi %scan3A_63, %scan3A_64 : i32
    %scan3A_66 = arith.constant 1 : i32
    scf.for %scan3A_157 = %scan3A_63 to %scan3A_65 step %scan3A_66  : i32 {
      %mul3A_158 = arith.constant 4 : i32
      %mul3A_159 = arith.muli %mul3A_158, %scan3A_157 : i32
      %add3A_160 = arith.constant 2 : i32
      %add3A_161 = arith.addi %add3A_160, %mul3A_159 : i32
      %add3A_162 = arith.constant 0 : i32
      %add3A_163 = arith.addi %add3A_161, %add3A_162 : i32
      %dma_wait3A_164 = arith.constant 0 : i32
      %dma_wait3A_165 = tpu.memref_slice %arg9[%add3A_163, %dma_wait3A_164] : memref<125x80xi32, #tpu.memory_space<vmem>> -> memref<1x80xi32, #tpu.memory_space<vmem>>
      %dma_wait3A_166 = tpu.memref_squeeze %dma_wait3A_165 : memref<1x80xi32, #tpu.memory_space<vmem>> -> memref<80xi32, #tpu.memory_space<vmem>>
      %dma_wait3A_167 = arith.constant 0 : i32
      %dma_wait3A_168 = arith.constant 0 : i32
      %dma_wait3A_169 = tpu.memref_slice %arg8[%dma_wait3A_167, %dma_wait3A_168] : memref<10000x32xf32, #tpu.memory_space<vmem_shared>> -> memref<10000x32xf32, #tpu.memory_space<vmem_shared>>
      tpu.wait_indirect_dma semaphore(%arg17 : memref<!tpu.dma_semaphore, #tpu.memory_space<semaphore_mem>>) src(%dma_wait3A_169 : memref<10000x32xf32, #tpu.memory_space<vmem_shared>>) dst(%arg13 : memref<80x32xf32, #tpu.memory_space<vmem>>)
      %dma_start3A_170 = arith.constant 0 : i32
      %dma_start3A_171 = tpu.memref_slice %arg10[%add3A_163, %dma_start3A_170] : memref<125x80xi32, #tpu.memory_space<vmem>> -> memref<1x80xi32, #tpu.memory_space<vmem>>
      %dma_start3A_172 = tpu.memref_squeeze %dma_start3A_171 : memref<1x80xi32, #tpu.memory_space<vmem>> -> memref<80xi32, #tpu.memory_space<vmem>>
      %dma_start3A_173 = arith.constant 0 : i32
      %dma_start3A_174 = arith.constant 0 : i32
      %dma_start3A_175 = tpu.memref_slice %arg7[%dma_start3A_173, %dma_start3A_174] : memref<10240x32xf32, #tpu.memory_space<vmem_shared>> -> memref<10240x32xf32, #tpu.memory_space<vmem_shared>>
      tpu.enqueue_indirect_dma source(%arg13 : memref<80x32xf32, #tpu.memory_space<vmem>>) target(%dma_start3A_175 : memref<10240x32xf32, #tpu.memory_space<vmem_shared>>) offsets(%dma_start3A_172 : memref<80xi32, #tpu.memory_space<vmem>>) semaphore(%arg21 : memref<!tpu.dma_semaphore, #tpu.memory_space<semaphore_mem>>) {add = true}
      %sub3A = arith.constant 2 : i32
      %sub3A_176 = arith.subi %add3A_163, %sub3A : i32
      %dma_wait3A_177 = arith.constant 0 : i32
      %dma_wait3A_178 = tpu.memref_slice %arg10[%sub3A_176, %dma_wait3A_177] : memref<125x80xi32, #tpu.memory_space<vmem>> -> memref<1x80xi32, #tpu.memory_space<vmem>>
      %dma_wait3A_179 = tpu.memref_squeeze %dma_wait3A_178 : memref<1x80xi32, #tpu.memory_space<vmem>> -> memref<80xi32, #tpu.memory_space<vmem>>
      %dma_wait3A_180 = arith.constant 0 : i32
      %dma_wait3A_181 = arith.constant 0 : i32
      %dma_wait3A_182 = tpu.memref_slice %arg7[%dma_wait3A_180, %dma_wait3A_181] : memref<10240x32xf32, #tpu.memory_space<vmem_shared>> -> memref<10240x32xf32, #tpu.memory_space<vmem_shared>>
      tpu.wait_indirect_dma semaphore(%arg19 : memref<!tpu.dma_semaphore, #tpu.memory_space<semaphore_mem>>) src(%arg11 : memref<80x32xf32, #tpu.memory_space<vmem>>) dst(%dma_wait3A_182 : memref<10240x32xf32, #tpu.memory_space<vmem_shared>>)
      %add3A_183 = arith.constant 2 : i32
      %add3A_184 = arith.addi %add3A_163, %add3A_183 : i32
      %dma_start3A_185 = arith.constant 0 : i32
      %dma_start3A_186 = tpu.memref_slice %arg9[%add3A_184, %dma_start3A_185] : memref<125x80xi32, #tpu.memory_space<vmem>> -> memref<1x80xi32, #tpu.memory_space<vmem>>
      %dma_start3A_187 = tpu.memref_squeeze %dma_start3A_186 : memref<1x80xi32, #tpu.memory_space<vmem>> -> memref<80xi32, #tpu.memory_space<vmem>>
      %dma_start3A_188 = arith.constant 0 : i32
      %dma_start3A_189 = arith.constant 0 : i32
      %dma_start3A_190 = tpu.memref_slice %arg8[%dma_start3A_188, %dma_start3A_189] : memref<10000x32xf32, #tpu.memory_space<vmem_shared>> -> memref<10000x32xf32, #tpu.memory_space<vmem_shared>>
      tpu.enqueue_indirect_dma source(%dma_start3A_190 : memref<10000x32xf32, #tpu.memory_space<vmem_shared>>) target(%arg11 : memref<80x32xf32, #tpu.memory_space<vmem>>) offsets(%dma_start3A_187 : memref<80xi32, #tpu.memory_space<vmem>>) semaphore(%arg15 : memref<!tpu.dma_semaphore, #tpu.memory_space<semaphore_mem>>)
      %add3A_191 = arith.constant 1 : i32
      %add3A_192 = arith.addi %add3A_161, %add3A_191 : i32
      %dma_wait3A_193 = arith.constant 0 : i32
      %dma_wait3A_194 = tpu.memref_slice %arg9[%add3A_192, %dma_wait3A_193] : memref<125x80xi32, #tpu.memory_space<vmem>> -> memref<1x80xi32, #tpu.memory_space<vmem>>
      %dma_wait3A_195 = tpu.memref_squeeze %dma_wait3A_194 : memref<1x80xi32, #tpu.memory_space<vmem>> -> memref<80xi32, #tpu.memory_space<vmem>>
      %dma_wait3A_196 = arith.constant 0 : i32
      %dma_wait3A_197 = arith.constant 0 : i32
      %dma_wait3A_198 = tpu.memref_slice %arg8[%dma_wait3A_196, %dma_wait3A_197] : memref<10000x32xf32, #tpu.memory_space<vmem_shared>> -> memref<10000x32xf32, #tpu.memory_space<vmem_shared>>
      tpu.wait_indirect_dma semaphore(%arg18 : memref<!tpu.dma_semaphore, #tpu.memory_space<semaphore_mem>>) src(%dma_wait3A_198 : memref<10000x32xf32, #tpu.memory_space<vmem_shared>>) dst(%arg14 : memref<80x32xf32, #tpu.memory_space<vmem>>)
      %dma_start3A_199 = arith.constant 0 : i32
      %dma_start3A_200 = tpu.memref_slice %arg10[%add3A_192, %dma_start3A_199] : memref<125x80xi32, #tpu.memory_space<vmem>> -> memref<1x80xi32, #tpu.memory_space<vmem>>
      %dma_start3A_201 = tpu.memref_squeeze %dma_start3A_200 : memref<1x80xi32, #tpu.memory_space<vmem>> -> memref<80xi32, #tpu.memory_space<vmem>>
      %dma_start3A_202 = arith.constant 0 : i32
      %dma_start3A_203 = arith.constant 0 : i32
      %dma_start3A_204 = tpu.memref_slice %arg7[%dma_start3A_202, %dma_start3A_203] : memref<10240x32xf32, #tpu.memory_space<vmem_shared>> -> memref<10240x32xf32, #tpu.memory_space<vmem_shared>>
      tpu.enqueue_indirect_dma source(%arg14 : memref<80x32xf32, #tpu.memory_space<vmem>>) target(%dma_start3A_204 : memref<10240x32xf32, #tpu.memory_space<vmem_shared>>) offsets(%dma_start3A_201 : memref<80xi32, #tpu.memory_space<vmem>>) semaphore(%arg22 : memref<!tpu.dma_semaphore, #tpu.memory_space<semaphore_mem>>) {add = true}
      %sub3A_205 = arith.constant 2 : i32
      %sub3A_206 = arith.subi %add3A_192, %sub3A_205 : i32
      %dma_wait3A_207 = arith.constant 0 : i32
      %dma_wait3A_208 = tpu.memref_slice %arg10[%sub3A_206, %dma_wait3A_207] : memref<125x80xi32, #tpu.memory_space<vmem>> -> memref<1x80xi32, #tpu.memory_space<vmem>>
      %dma_wait3A_209 = tpu.memref_squeeze %dma_wait3A_208 : memref<1x80xi32, #tpu.memory_space<vmem>> -> memref<80xi32, #tpu.memory_space<vmem>>
      %dma_wait3A_210 = arith.constant 0 : i32
      %dma_wait3A_211 = arith.constant 0 : i32
      %dma_wait3A_212 = tpu.memref_slice %arg7[%dma_wait3A_210, %dma_wait3A_211] : memref<10240x32xf32, #tpu.memory_space<vmem_shared>> -> memref<10240x32xf32, #tpu.memory_space<vmem_shared>>
      tpu.wait_indirect_dma semaphore(%arg20 : memref<!tpu.dma_semaphore, #tpu.memory_space<semaphore_mem>>) src(%arg12 : memref<80x32xf32, #tpu.memory_space<vmem>>) dst(%dma_wait3A_212 : memref<10240x32xf32, #tpu.memory_space<vmem_shared>>)
      %add3A_213 = arith.constant 2 : i32
      %add3A_214 = arith.addi %add3A_192, %add3A_213 : i32
      %dma_start3A_215 = arith.constant 0 : i32
      %dma_start3A_216 = tpu.memref_slice %arg9[%add3A_214, %dma_start3A_215] : memref<125x80xi32, #tpu.memory_space<vmem>> -> memref<1x80xi32, #tpu.memory_space<vmem>>
      %dma_start3A_217 = tpu.memref_squeeze %dma_start3A_216 : memref<1x80xi32, #tpu.memory_space<vmem>> -> memref<80xi32, #tpu.memory_space<vmem>>
      %dma_start3A_218 = arith.constant 0 : i32
      %dma_start3A_219 = arith.constant 0 : i32
      %dma_start3A_220 = tpu.memref_slice %arg8[%dma_start3A_218, %dma_start3A_219] : memref<10000x32xf32, #tpu.memory_space<vmem_shared>> -> memref<10000x32xf32, #tpu.memory_space<vmem_shared>>
      tpu.enqueue_indirect_dma source(%dma_start3A_220 : memref<10000x32xf32, #tpu.memory_space<vmem_shared>>) target(%arg12 : memref<80x32xf32, #tpu.memory_space<vmem>>) offsets(%dma_start3A_217 : memref<80xi32, #tpu.memory_space<vmem>>) semaphore(%arg16 : memref<!tpu.dma_semaphore, #tpu.memory_space<semaphore_mem>>)
      %add3A_221 = arith.constant 2 : i32
      %add3A_222 = arith.addi %add3A_161, %add3A_221 : i32
      %dma_wait3A_223 = arith.constant 0 : i32
      %dma_wait3A_224 = tpu.memref_slice %arg9[%add3A_222, %dma_wait3A_223] : memref<125x80xi32, #tpu.memory_space<vmem>> -> memref<1x80xi32, #tpu.memory_space<vmem>>
      %dma_wait3A_225 = tpu.memref_squeeze %dma_wait3A_224 : memref<1x80xi32, #tpu.memory_space<vmem>> -> memref<80xi32, #tpu.memory_space<vmem>>
      %dma_wait3A_226 = arith.constant 0 : i32
      %dma_wait3A_227 = arith.constant 0 : i32
      %dma_wait3A_228 = tpu.memref_slice %arg8[%dma_wait3A_226, %dma_wait3A_227] : memref<10000x32xf32, #tpu.memory_space<vmem_shared>> -> memref<10000x32xf32, #tpu.memory_space<vmem_shared>>
      tpu.wait_indirect_dma semaphore(%arg15 : memref<!tpu.dma_semaphore, #tpu.memory_space<semaphore_mem>>) src(%dma_wait3A_228 : memref<10000x32xf32, #tpu.memory_space<vmem_shared>>) dst(%arg11 : memref<80x32xf32, #tpu.memory_space<vmem>>)
      %dma_start3A_229 = arith.constant 0 : i32
      %dma_start3A_230 = tpu.memref_slice %arg10[%add3A_222, %dma_start3A_229] : memref<125x80xi32, #tpu.memory_space<vmem>> -> memref<1x80xi32, #tpu.memory_space<vmem>>
      %dma_start3A_231 = tpu.memref_squeeze %dma_start3A_230 : memref<1x80xi32, #tpu.memory_space<vmem>> -> memref<80xi32, #tpu.memory_space<vmem>>
      %dma_start3A_232 = arith.constant 0 : i32
      %dma_start3A_233 = arith.constant 0 : i32
      %dma_start3A_234 = tpu.memref_slice %arg7[%dma_start3A_232, %dma_start3A_233] : memref<10240x32xf32, #tpu.memory_space<vmem_shared>> -> memref<10240x32xf32, #tpu.memory_space<vmem_shared>>
      tpu.enqueue_indirect_dma source(%arg11 : memref<80x32xf32, #tpu.memory_space<vmem>>) target(%dma_start3A_234 : memref<10240x32xf32, #tpu.memory_space<vmem_shared>>) offsets(%dma_start3A_231 : memref<80xi32, #tpu.memory_space<vmem>>) semaphore(%arg19 : memref<!tpu.dma_semaphore, #tpu.memory_space<semaphore_mem>>) {add = true}
      %sub3A_235 = arith.constant 2 : i32
      %sub3A_236 = arith.subi %add3A_222, %sub3A_235 : i32
      %dma_wait3A_237 = arith.constant 0 : i32
      %dma_wait3A_238 = tpu.memref_slice %arg10[%sub3A_236, %dma_wait3A_237] : memref<125x80xi32, #tpu.memory_space<vmem>> -> memref<1x80xi32, #tpu.memory_space<vmem>>
      %dma_wait3A_239 = tpu.memref_squeeze %dma_wait3A_238 : memref<1x80xi32, #tpu.memory_space<vmem>> -> memref<80xi32, #tpu.memory_space<vmem>>
      %dma_wait3A_240 = arith.constant 0 : i32
      %dma_wait3A_241 = arith.constant 0 : i32
      %dma_wait3A_242 = tpu.memref_slice %arg7[%dma_wait3A_240, %dma_wait3A_241] : memref<10240x32xf32, #tpu.memory_space<vmem_shared>> -> memref<10240x32xf32, #tpu.memory_space<vmem_shared>>
      tpu.wait_indirect_dma semaphore(%arg21 : memref<!tpu.dma_semaphore, #tpu.memory_space<semaphore_mem>>) src(%arg13 : memref<80x32xf32, #tpu.memory_space<vmem>>) dst(%dma_wait3A_242 : memref<10240x32xf32, #tpu.memory_space<vmem_shared>>)
      %add3A_243 = arith.constant 2 : i32
      %add3A_244 = arith.addi %add3A_222, %add3A_243 : i32
      %dma_start3A_245 = arith.constant 0 : i32
      %dma_start3A_246 = tpu.memref_slice %arg9[%add3A_244, %dma_start3A_245] : memref<125x80xi32, #tpu.memory_space<vmem>> -> memref<1x80xi32, #tpu.memory_space<vmem>>
      %dma_start3A_247 = tpu.memref_squeeze %dma_start3A_246 : memref<1x80xi32, #tpu.memory_space<vmem>> -> memref<80xi32, #tpu.memory_space<vmem>>
      %dma_start3A_248 = arith.constant 0 : i32
      %dma_start3A_249 = arith.constant 0 : i32
      %dma_start3A_250 = tpu.memref_slice %arg8[%dma_start3A_248, %dma_start3A_249] : memref<10000x32xf32, #tpu.memory_space<vmem_shared>> -> memref<10000x32xf32, #tpu.memory_space<vmem_shared>>
      tpu.enqueue_indirect_dma source(%dma_start3A_250 : memref<10000x32xf32, #tpu.memory_space<vmem_shared>>) target(%arg13 : memref<80x32xf32, #tpu.memory_space<vmem>>) offsets(%dma_start3A_247 : memref<80xi32, #tpu.memory_space<vmem>>) semaphore(%arg17 : memref<!tpu.dma_semaphore, #tpu.memory_space<semaphore_mem>>)
      %add3A_251 = arith.constant 3 : i32
      %add3A_252 = arith.addi %add3A_161, %add3A_251 : i32
      %dma_wait3A_253 = arith.constant 0 : i32
      %dma_wait3A_254 = tpu.memref_slice %arg9[%add3A_252, %dma_wait3A_253] : memref<125x80xi32, #tpu.memory_space<vmem>> -> memref<1x80xi32, #tpu.memory_space<vmem>>
      %dma_wait3A_255 = tpu.memref_squeeze %dma_wait3A_254 : memref<1x80xi32, #tpu.memory_space<vmem>> -> memref<80xi32, #tpu.memory_space<vmem>>
      %dma_wait3A_256 = arith.constant 0 : i32
      %dma_wait3A_257 = arith.constant 0 : i32
      %dma_wait3A_258 = tpu.memref_slice %arg8[%dma_wait3A_256, %dma_wait3A_257] : memref<10000x32xf32, #tpu.memory_space<vmem_shared>> -> memref<10000x32xf32, #tpu.memory_space<vmem_shared>>
      tpu.wait_indirect_dma semaphore(%arg16 : memref<!tpu.dma_semaphore, #tpu.memory_space<semaphore_mem>>) src(%dma_wait3A_258 : memref<10000x32xf32, #tpu.memory_space<vmem_shared>>) dst(%arg12 : memref<80x32xf32, #tpu.memory_space<vmem>>)
      %dma_start3A_259 = arith.constant 0 : i32
      %dma_start3A_260 = tpu.memref_slice %arg10[%add3A_252, %dma_start3A_259] : memref<125x80xi32, #tpu.memory_space<vmem>> -> memref<1x80xi32, #tpu.memory_space<vmem>>
      %dma_start3A_261 = tpu.memref_squeeze %dma_start3A_260 : memref<1x80xi32, #tpu.memory_space<vmem>> -> memref<80xi32, #tpu.memory_space<vmem>>
      %dma_start3A_262 = arith.constant 0 : i32
      %dma_start3A_263 = arith.constant 0 : i32
      %dma_start3A_264 = tpu.memref_slice %arg7[%dma_start3A_262, %dma_start3A_263] : memref<10240x32xf32, #tpu.memory_space<vmem_shared>> -> memref<10240x32xf32, #tpu.memory_space<vmem_shared>>
      tpu.enqueue_indirect_dma source(%arg12 : memref<80x32xf32, #tpu.memory_space<vmem>>) target(%dma_start3A_264 : memref<10240x32xf32, #tpu.memory_space<vmem_shared>>) offsets(%dma_start3A_261 : memref<80xi32, #tpu.memory_space<vmem>>) semaphore(%arg20 : memref<!tpu.dma_semaphore, #tpu.memory_space<semaphore_mem>>) {add = true}
      %sub3A_265 = arith.constant 2 : i32
      %sub3A_266 = arith.subi %add3A_252, %sub3A_265 : i32
      %dma_wait3A_267 = arith.constant 0 : i32
      %dma_wait3A_268 = tpu.memref_slice %arg10[%sub3A_266, %dma_wait3A_267] : memref<125x80xi32, #tpu.memory_space<vmem>> -> memref<1x80xi32, #tpu.memory_space<vmem>>
      %dma_wait3A_269 = tpu.memref_squeeze %dma_wait3A_268 : memref<1x80xi32, #tpu.memory_space<vmem>> -> memref<80xi32, #tpu.memory_space<vmem>>
      %dma_wait3A_270 = arith.constant 0 : i32
      %dma_wait3A_271 = arith.constant 0 : i32
      %dma_wait3A_272 = tpu.memref_slice %arg7[%dma_wait3A_270, %dma_wait3A_271] : memref<10240x32xf32, #tpu.memory_space<vmem_shared>> -> memref<10240x32xf32, #tpu.memory_space<vmem_shared>>
      tpu.wait_indirect_dma semaphore(%arg22 : memref<!tpu.dma_semaphore, #tpu.memory_space<semaphore_mem>>) src(%arg14 : memref<80x32xf32, #tpu.memory_space<vmem>>) dst(%dma_wait3A_272 : memref<10240x32xf32, #tpu.memory_space<vmem_shared>>)
      %add3A_273 = arith.constant 2 : i32
      %add3A_274 = arith.addi %add3A_252, %add3A_273 : i32
      %dma_start3A_275 = arith.constant 0 : i32
      %dma_start3A_276 = tpu.memref_slice %arg9[%add3A_274, %dma_start3A_275] : memref<125x80xi32, #tpu.memory_space<vmem>> -> memref<1x80xi32, #tpu.memory_space<vmem>>
      %dma_start3A_277 = tpu.memref_squeeze %dma_start3A_276 : memref<1x80xi32, #tpu.memory_space<vmem>> -> memref<80xi32, #tpu.memory_space<vmem>>
      %dma_start3A_278 = arith.constant 0 : i32
      %dma_start3A_279 = arith.constant 0 : i32
      %dma_start3A_280 = tpu.memref_slice %arg8[%dma_start3A_278, %dma_start3A_279] : memref<10000x32xf32, #tpu.memory_space<vmem_shared>> -> memref<10000x32xf32, #tpu.memory_space<vmem_shared>>
      tpu.enqueue_indirect_dma source(%dma_start3A_280 : memref<10000x32xf32, #tpu.memory_space<vmem_shared>>) target(%arg14 : memref<80x32xf32, #tpu.memory_space<vmem>>) offsets(%dma_start3A_277 : memref<80xi32, #tpu.memory_space<vmem>>) semaphore(%arg18 : memref<!tpu.dma_semaphore, #tpu.memory_space<semaphore_mem>>)
    }
    %scan3A_67 = arith.constant 30 : i32
    %dma_wait3A_68 = arith.constant 122 : i32
    %dma_wait3A_69 = arith.constant 0 : i32
    %dma_wait3A_70 = tpu.memref_slice %arg9[%dma_wait3A_68, %dma_wait3A_69] : memref<125x80xi32, #tpu.memory_space<vmem>> -> memref<1x80xi32, #tpu.memory_space<vmem>>
    %dma_wait3A_71 = tpu.memref_squeeze %dma_wait3A_70 : memref<1x80xi32, #tpu.memory_space<vmem>> -> memref<80xi32, #tpu.memory_space<vmem>>
    %dma_wait3A_72 = arith.constant 0 : i32
    %dma_wait3A_73 = arith.constant 0 : i32
    %dma_wait3A_74 = tpu.memref_slice %arg8[%dma_wait3A_72, %dma_wait3A_73] : memref<10000x32xf32, #tpu.memory_space<vmem_shared>> -> memref<10000x32xf32, #tpu.memory_space<vmem_shared>>
    tpu.wait_indirect_dma semaphore(%arg17 : memref<!tpu.dma_semaphore, #tpu.memory_space<semaphore_mem>>) src(%dma_wait3A_74 : memref<10000x32xf32, #tpu.memory_space<vmem_shared>>) dst(%arg13 : memref<80x32xf32, #tpu.memory_space<vmem>>)
    %dma_start3A_75 = arith.constant 122 : i32
    %dma_start3A_76 = arith.constant 0 : i32
    %dma_start3A_77 = tpu.memref_slice %arg10[%dma_start3A_75, %dma_start3A_76] : memref<125x80xi32, #tpu.memory_space<vmem>> -> memref<1x80xi32, #tpu.memory_space<vmem>>
    %dma_start3A_78 = tpu.memref_squeeze %dma_start3A_77 : memref<1x80xi32, #tpu.memory_space<vmem>> -> memref<80xi32, #tpu.memory_space<vmem>>
    %dma_start3A_79 = arith.constant 0 : i32
    %dma_start3A_80 = arith.constant 0 : i32
    %dma_start3A_81 = tpu.memref_slice %arg7[%dma_start3A_79, %dma_start3A_80] : memref<10240x32xf32, #tpu.memory_space<vmem_shared>> -> memref<10240x32xf32, #tpu.memory_space<vmem_shared>>
    tpu.enqueue_indirect_dma source(%arg13 : memref<80x32xf32, #tpu.memory_space<vmem>>) target(%dma_start3A_81 : memref<10240x32xf32, #tpu.memory_space<vmem_shared>>) offsets(%dma_start3A_78 : memref<80xi32, #tpu.memory_space<vmem>>) semaphore(%arg21 : memref<!tpu.dma_semaphore, #tpu.memory_space<semaphore_mem>>) {add = true}
    %dma_wait3A_82 = arith.constant 120 : i32
    %dma_wait3A_83 = arith.constant 0 : i32
    %dma_wait3A_84 = tpu.memref_slice %arg10[%dma_wait3A_82, %dma_wait3A_83] : memref<125x80xi32, #tpu.memory_space<vmem>> -> memref<1x80xi32, #tpu.memory_space<vmem>>
    %dma_wait3A_85 = tpu.memref_squeeze %dma_wait3A_84 : memref<1x80xi32, #tpu.memory_space<vmem>> -> memref<80xi32, #tpu.memory_space<vmem>>
    %dma_wait3A_86 = arith.constant 0 : i32
    %dma_wait3A_87 = arith.constant 0 : i32
    %dma_wait3A_88 = tpu.memref_slice %arg7[%dma_wait3A_86, %dma_wait3A_87] : memref<10240x32xf32, #tpu.memory_space<vmem_shared>> -> memref<10240x32xf32, #tpu.memory_space<vmem_shared>>
    tpu.wait_indirect_dma semaphore(%arg19 : memref<!tpu.dma_semaphore, #tpu.memory_space<semaphore_mem>>) src(%arg11 : memref<80x32xf32, #tpu.memory_space<vmem>>) dst(%dma_wait3A_88 : memref<10240x32xf32, #tpu.memory_space<vmem_shared>>)
    %dma_start3A_89 = arith.constant 124 : i32
    %dma_start3A_90 = arith.constant 0 : i32
    %dma_start3A_91 = tpu.memref_slice %arg9[%dma_start3A_89, %dma_start3A_90] : memref<125x80xi32, #tpu.memory_space<vmem>> -> memref<1x80xi32, #tpu.memory_space<vmem>>
    %dma_start3A_92 = tpu.memref_squeeze %dma_start3A_91 : memref<1x80xi32, #tpu.memory_space<vmem>> -> memref<80xi32, #tpu.memory_space<vmem>>
    %dma_start3A_93 = arith.constant 0 : i32
    %dma_start3A_94 = arith.constant 0 : i32
    %dma_start3A_95 = tpu.memref_slice %arg8[%dma_start3A_93, %dma_start3A_94] : memref<10000x32xf32, #tpu.memory_space<vmem_shared>> -> memref<10000x32xf32, #tpu.memory_space<vmem_shared>>
    tpu.enqueue_indirect_dma source(%dma_start3A_95 : memref<10000x32xf32, #tpu.memory_space<vmem_shared>>) target(%arg11 : memref<80x32xf32, #tpu.memory_space<vmem>>) offsets(%dma_start3A_92 : memref<80xi32, #tpu.memory_space<vmem>>) semaphore(%arg15 : memref<!tpu.dma_semaphore, #tpu.memory_space<semaphore_mem>>)
    %dma_wait3A_96 = arith.constant 123 : i32
    %dma_wait3A_97 = arith.constant 0 : i32
    %dma_wait3A_98 = tpu.memref_slice %arg9[%dma_wait3A_96, %dma_wait3A_97] : memref<125x80xi32, #tpu.memory_space<vmem>> -> memref<1x80xi32, #tpu.memory_space<vmem>>
    %dma_wait3A_99 = tpu.memref_squeeze %dma_wait3A_98 : memref<1x80xi32, #tpu.memory_space<vmem>> -> memref<80xi32, #tpu.memory_space<vmem>>
    %dma_wait3A_100 = arith.constant 0 : i32
    %dma_wait3A_101 = arith.constant 0 : i32
    %dma_wait3A_102 = tpu.memref_slice %arg8[%dma_wait3A_100, %dma_wait3A_101] : memref<10000x32xf32, #tpu.memory_space<vmem_shared>> -> memref<10000x32xf32, #tpu.memory_space<vmem_shared>>
    tpu.wait_indirect_dma semaphore(%arg18 : memref<!tpu.dma_semaphore, #tpu.memory_space<semaphore_mem>>) src(%dma_wait3A_102 : memref<10000x32xf32, #tpu.memory_space<vmem_shared>>) dst(%arg14 : memref<80x32xf32, #tpu.memory_space<vmem>>)
    %dma_start3A_103 = arith.constant 123 : i32
    %dma_start3A_104 = arith.constant 0 : i32
    %dma_start3A_105 = tpu.memref_slice %arg10[%dma_start3A_103, %dma_start3A_104] : memref<125x80xi32, #tpu.memory_space<vmem>> -> memref<1x80xi32, #tpu.memory_space<vmem>>
    %dma_start3A_106 = tpu.memref_squeeze %dma_start3A_105 : memref<1x80xi32, #tpu.memory_space<vmem>> -> memref<80xi32, #tpu.memory_space<vmem>>
    %dma_start3A_107 = arith.constant 0 : i32
    %dma_start3A_108 = arith.constant 0 : i32
    %dma_start3A_109 = tpu.memref_slice %arg7[%dma_start3A_107, %dma_start3A_108] : memref<10240x32xf32, #tpu.memory_space<vmem_shared>> -> memref<10240x32xf32, #tpu.memory_space<vmem_shared>>
    tpu.enqueue_indirect_dma source(%arg14 : memref<80x32xf32, #tpu.memory_space<vmem>>) target(%dma_start3A_109 : memref<10240x32xf32, #tpu.memory_space<vmem_shared>>) offsets(%dma_start3A_106 : memref<80xi32, #tpu.memory_space<vmem>>) semaphore(%arg22 : memref<!tpu.dma_semaphore, #tpu.memory_space<semaphore_mem>>) {add = true}
    %dma_wait3A_110 = arith.constant 121 : i32
    %dma_wait3A_111 = arith.constant 0 : i32
    %dma_wait3A_112 = tpu.memref_slice %arg10[%dma_wait3A_110, %dma_wait3A_111] : memref<125x80xi32, #tpu.memory_space<vmem>> -> memref<1x80xi32, #tpu.memory_space<vmem>>
    %dma_wait3A_113 = tpu.memref_squeeze %dma_wait3A_112 : memref<1x80xi32, #tpu.memory_space<vmem>> -> memref<80xi32, #tpu.memory_space<vmem>>
    %dma_wait3A_114 = arith.constant 0 : i32
    %dma_wait3A_115 = arith.constant 0 : i32
    %dma_wait3A_116 = tpu.memref_slice %arg7[%dma_wait3A_114, %dma_wait3A_115] : memref<10240x32xf32, #tpu.memory_space<vmem_shared>> -> memref<10240x32xf32, #tpu.memory_space<vmem_shared>>
    tpu.wait_indirect_dma semaphore(%arg20 : memref<!tpu.dma_semaphore, #tpu.memory_space<semaphore_mem>>) src(%arg12 : memref<80x32xf32, #tpu.memory_space<vmem>>) dst(%dma_wait3A_116 : memref<10240x32xf32, #tpu.memory_space<vmem_shared>>)
    %dma_wait3A_117 = arith.constant 124 : i32
    %dma_wait3A_118 = arith.constant 0 : i32
    %dma_wait3A_119 = tpu.memref_slice %arg9[%dma_wait3A_117, %dma_wait3A_118] : memref<125x80xi32, #tpu.memory_space<vmem>> -> memref<1x80xi32, #tpu.memory_space<vmem>>
    %dma_wait3A_120 = tpu.memref_squeeze %dma_wait3A_119 : memref<1x80xi32, #tpu.memory_space<vmem>> -> memref<80xi32, #tpu.memory_space<vmem>>
    %dma_wait3A_121 = arith.constant 0 : i32
    %dma_wait3A_122 = arith.constant 0 : i32
    %dma_wait3A_123 = tpu.memref_slice %arg8[%dma_wait3A_121, %dma_wait3A_122] : memref<10000x32xf32, #tpu.memory_space<vmem_shared>> -> memref<10000x32xf32, #tpu.memory_space<vmem_shared>>
    tpu.wait_indirect_dma semaphore(%arg15 : memref<!tpu.dma_semaphore, #tpu.memory_space<semaphore_mem>>) src(%dma_wait3A_123 : memref<10000x32xf32, #tpu.memory_space<vmem_shared>>) dst(%arg11 : memref<80x32xf32, #tpu.memory_space<vmem>>)
    %dma_start3A_124 = arith.constant 124 : i32
    %dma_start3A_125 = arith.constant 0 : i32
    %dma_start3A_126 = tpu.memref_slice %arg10[%dma_start3A_124, %dma_start3A_125] : memref<125x80xi32, #tpu.memory_space<vmem>> -> memref<1x80xi32, #tpu.memory_space<vmem>>
    %dma_start3A_127 = tpu.memref_squeeze %dma_start3A_126 : memref<1x80xi32, #tpu.memory_space<vmem>> -> memref<80xi32, #tpu.memory_space<vmem>>
    %dma_start3A_128 = arith.constant 0 : i32
    %dma_start3A_129 = arith.constant 0 : i32
    %dma_start3A_130 = tpu.memref_slice %arg7[%dma_start3A_128, %dma_start3A_129] : memref<10240x32xf32, #tpu.memory_space<vmem_shared>> -> memref<10240x32xf32, #tpu.memory_space<vmem_shared>>
    tpu.enqueue_indirect_dma source(%arg11 : memref<80x32xf32, #tpu.memory_space<vmem>>) target(%dma_start3A_130 : memref<10240x32xf32, #tpu.memory_space<vmem_shared>>) offsets(%dma_start3A_127 : memref<80xi32, #tpu.memory_space<vmem>>) semaphore(%arg19 : memref<!tpu.dma_semaphore, #tpu.memory_space<semaphore_mem>>) {add = true}
    %dma_wait3A_131 = arith.constant 122 : i32
    %dma_wait3A_132 = arith.constant 0 : i32
    %dma_wait3A_133 = tpu.memref_slice %arg10[%dma_wait3A_131, %dma_wait3A_132] : memref<125x80xi32, #tpu.memory_space<vmem>> -> memref<1x80xi32, #tpu.memory_space<vmem>>
    %dma_wait3A_134 = tpu.memref_squeeze %dma_wait3A_133 : memref<1x80xi32, #tpu.memory_space<vmem>> -> memref<80xi32, #tpu.memory_space<vmem>>
    %dma_wait3A_135 = arith.constant 0 : i32
    %dma_wait3A_136 = arith.constant 0 : i32
    %dma_wait3A_137 = tpu.memref_slice %arg7[%dma_wait3A_135, %dma_wait3A_136] : memref<10240x32xf32, #tpu.memory_space<vmem_shared>> -> memref<10240x32xf32, #tpu.memory_space<vmem_shared>>
    tpu.wait_indirect_dma semaphore(%arg21 : memref<!tpu.dma_semaphore, #tpu.memory_space<semaphore_mem>>) src(%arg13 : memref<80x32xf32, #tpu.memory_space<vmem>>) dst(%dma_wait3A_137 : memref<10240x32xf32, #tpu.memory_space<vmem_shared>>)
    %dma_wait3A_138 = arith.constant 123 : i32
    %dma_wait3A_139 = arith.constant 0 : i32
    %dma_wait3A_140 = tpu.memref_slice %arg10[%dma_wait3A_138, %dma_wait3A_139] : memref<125x80xi32, #tpu.memory_space<vmem>> -> memref<1x80xi32, #tpu.memory_space<vmem>>
    %dma_wait3A_141 = tpu.memref_squeeze %dma_wait3A_140 : memref<1x80xi32, #tpu.memory_space<vmem>> -> memref<80xi32, #tpu.memory_space<vmem>>
    %dma_wait3A_142 = arith.constant 0 : i32
    %dma_wait3A_143 = arith.constant 0 : i32
    %dma_wait3A_144 = tpu.memref_slice %arg7[%dma_wait3A_142, %dma_wait3A_143] : memref<10240x32xf32, #tpu.memory_space<vmem_shared>> -> memref<10240x32xf32, #tpu.memory_space<vmem_shared>>
    tpu.wait_indirect_dma semaphore(%arg22 : memref<!tpu.dma_semaphore, #tpu.memory_space<semaphore_mem>>) src(%arg14 : memref<80x32xf32, #tpu.memory_space<vmem>>) dst(%dma_wait3A_144 : memref<10240x32xf32, #tpu.memory_space<vmem_shared>>)
    %dma_wait3A_145 = arith.constant 124 : i32
    %dma_wait3A_146 = arith.constant 0 : i32
    %dma_wait3A_147 = tpu.memref_slice %arg10[%dma_wait3A_145, %dma_wait3A_146] : memref<125x80xi32, #tpu.memory_space<vmem>> -> memref<1x80xi32, #tpu.memory_space<vmem>>
    %dma_wait3A_148 = tpu.memref_squeeze %dma_wait3A_147 : memref<1x80xi32, #tpu.memory_space<vmem>> -> memref<80xi32, #tpu.memory_space<vmem>>
    %dma_wait3A_149 = arith.constant 0 : i32
    %dma_wait3A_150 = arith.constant 0 : i32
    %dma_wait3A_151 = tpu.memref_slice %arg7[%dma_wait3A_149, %dma_wait3A_150] : memref<10240x32xf32, #tpu.memory_space<vmem_shared>> -> memref<10240x32xf32, #tpu.memory_space<vmem_shared>>
    tpu.wait_indirect_dma semaphore(%arg19 : memref<!tpu.dma_semaphore, #tpu.memory_space<semaphore_mem>>) src(%arg11 : memref<80x32xf32, #tpu.memory_space<vmem>>) dst(%dma_wait3A_151 : memref<10240x32xf32, #tpu.memory_space<vmem_shared>>)
    %barrier3A_152 = arith.constant 0 : index
    tpu.barrier barrier_id(%barrier3A_152)
    %mul3A_153 = arith.constant 640 : i32
    %mul3A_154 = arith.muli %arg1, %mul3A_153 : i32
    %mul3A_155 = arith.constant 640 : i32
    %mul3A_156 = arith.muli %arg1, %mul3A_155 : i32
    "tpu.region"() ({
      %run_scoped3A = tpu.sem_alloc : memref<!tpu.dma_semaphore, #tpu.memory_space<semaphore_mem>>
      %dma_start3A_157 = arith.constant 0 : i32
      %dma_start3A_158 = tpu.memref_slice %arg6[%arg0, %mul3A_156, %dma_start3A_157] : memref<2x10240x32xf32, #tpu.memory_space<hbm>> -> memref<1x640x32xf32, #tpu.memory_space<hbm>>
      %dma_start3A_159 = tpu.memref_squeeze %dma_start3A_158 : memref<1x640x32xf32, #tpu.memory_space<hbm>> -> memref<640x32xf32, #tpu.memory_space<hbm>>
      %dma_start3A_160 = arith.constant 0 : i32
      %dma_start3A_161 = tpu.memref_slice %arg7[%mul3A_154, %dma_start3A_160] : memref<10240x32xf32, #tpu.memory_space<vmem_shared>> -> memref<640x32xf32, #tpu.memory_space<vmem_shared>>
      tpu.enqueue_dma source(%dma_start3A_161 : memref<640x32xf32, #tpu.memory_space<vmem_shared>>) target(%dma_start3A_159 : memref<640x32xf32, #tpu.memory_space<hbm>>) target_semaphore(%run_scoped3A : memref<!tpu.dma_semaphore, #tpu.memory_space<semaphore_mem>>)
      %dma_wait3A_162 = arith.constant 0 : i32
      %dma_wait3A_163 = tpu.memref_slice %arg6[%arg0, %mul3A_156, %dma_wait3A_162] : memref<2x10240x32xf32, #tpu.memory_space<hbm>> -> memref<1x640x32xf32, #tpu.memory_space<hbm>>
      %dma_wait3A_164 = tpu.memref_squeeze %dma_wait3A_163 : memref<1x640x32xf32, #tpu.memory_space<hbm>> -> memref<640x32xf32, #tpu.memory_space<hbm>>
      %dma_wait3A_165 = arith.constant 0 : i32
      %dma_wait3A_166 = tpu.memref_slice %arg7[%mul3A_154, %dma_wait3A_165] : memref<10240x32xf32, #tpu.memory_space<vmem_shared>> -> memref<640x32xf32, #tpu.memory_space<vmem_shared>>
      tpu.wait_dma2 semaphore(%run_scoped3A : memref<!tpu.dma_semaphore, #tpu.memory_space<semaphore_mem>>) src(%dma_wait3A_166 : memref<640x32xf32, #tpu.memory_space<vmem_shared>>) dst(%dma_wait3A_164 : memref<640x32xf32, #tpu.memory_space<hbm>>)
      tpu.yield
    }) : () -> ()
    return
  }
}

#map = affine_map<(d0, d1) -> (0, 0, 0)>
#map1 = affine_map<(d0, d1) -> (0, 0)>
module attributes {stable_mosaic.version = 14 : i64} {
  func.func @deg_kernel(%arg0: i32, %arg1: i32, %arg2: memref<32x125x80xi32, #tpu.memory_space<hbm>>, %arg3: memref<80x8xf32, #tpu.memory_space<hbm>>, %arg4: memref<10240x8xf32, #tpu.memory_space<hbm>>, %arg5: memref<2x10240x8xf32, #tpu.memory_space<hbm>>, %arg6: memref<10240x8xf32, #tpu.memory_space<vmem_shared>>, %arg7: memref<125x80xi32, #tpu.memory_space<vmem>>, %arg8: memref<80x8xf32, #tpu.memory_space<vmem>>) attributes {dimension_semantics = [#tpu.dimension_semantics<core_parallel>, #tpu.dimension_semantics<subcore_parallel>], iteration_bounds = array<i64: 2, 16>, scalar_prefetch = 0 : i64, scratch_operands = 3 : i64, tpu.core_type = #tpu.core_type<sc_vector_subcore>, window_params = [{transform_indices = #map}, {transform_indices = #map1}, {transform_indices = #map1}, {transform_indices = #map}]} {
    %mul3A = arith.constant 16 : i32
    %mul3A_0 = arith.muli %arg0, %mul3A : i32
    %add3A = arith.addi %mul3A_0, %arg1 : i32
    %mul3A_1 = arith.constant 640 : i32
    %mul3A_2 = arith.muli %arg1, %mul3A_1 : i32
    %mul3A_3 = arith.constant 640 : i32
    %mul3A_4 = arith.muli %arg1, %mul3A_3 : i32
    "tpu.region"() ({
      %run_scoped3A = tpu.sem_alloc : memref<!tpu.dma_semaphore, #tpu.memory_space<semaphore_mem>>
      %dma_start3A = arith.constant 0 : i32
      %dma_start3A_15 = tpu.memref_slice %arg6[%mul3A_4, %dma_start3A] : memref<10240x8xf32, #tpu.memory_space<vmem_shared>> -> memref<640x8xf32, #tpu.memory_space<vmem_shared>>
      %dma_start3A_16 = arith.constant 0 : i32
      %dma_start3A_17 = tpu.memref_slice %arg4[%mul3A_2, %dma_start3A_16] : memref<10240x8xf32, #tpu.memory_space<hbm>> -> memref<640x8xf32, #tpu.memory_space<hbm>>
      tpu.enqueue_dma source(%dma_start3A_17 : memref<640x8xf32, #tpu.memory_space<hbm>>) target(%dma_start3A_15 : memref<640x8xf32, #tpu.memory_space<vmem_shared>>) target_semaphore(%run_scoped3A : memref<!tpu.dma_semaphore, #tpu.memory_space<semaphore_mem>>)
      %dma_wait3A = arith.constant 0 : i32
      %dma_wait3A_18 = tpu.memref_slice %arg6[%mul3A_4, %dma_wait3A] : memref<10240x8xf32, #tpu.memory_space<vmem_shared>> -> memref<640x8xf32, #tpu.memory_space<vmem_shared>>
      %dma_wait3A_19 = arith.constant 0 : i32
      %dma_wait3A_20 = tpu.memref_slice %arg4[%mul3A_2, %dma_wait3A_19] : memref<10240x8xf32, #tpu.memory_space<hbm>> -> memref<640x8xf32, #tpu.memory_space<hbm>>
      tpu.wait_dma2 semaphore(%run_scoped3A : memref<!tpu.dma_semaphore, #tpu.memory_space<semaphore_mem>>) src(%dma_wait3A_20 : memref<640x8xf32, #tpu.memory_space<hbm>>) dst(%dma_wait3A_18 : memref<640x8xf32, #tpu.memory_space<vmem_shared>>)
      tpu.yield
    }) : () -> ()
    "tpu.region"() ({
      %run_scoped3A = tpu.sem_alloc : memref<!tpu.dma_semaphore, #tpu.memory_space<semaphore_mem>>
      %dma_start3A = arith.constant 0 : i32
      %dma_start3A_15 = arith.constant 0 : i32
      %dma_start3A_16 = tpu.memref_slice %arg2[%add3A, %dma_start3A, %dma_start3A_15] : memref<32x125x80xi32, #tpu.memory_space<hbm>> -> memref<1x125x80xi32, #tpu.memory_space<hbm>>
      %dma_start3A_17 = tpu.memref_squeeze %dma_start3A_16 : memref<1x125x80xi32, #tpu.memory_space<hbm>> -> memref<125x80xi32, #tpu.memory_space<hbm>>
      %dma_start3A_18 = arith.constant 0 : i32
      %dma_start3A_19 = arith.constant 0 : i32
      %dma_start3A_20 = tpu.memref_slice %arg2[%add3A, %dma_start3A_18, %dma_start3A_19] : memref<32x125x80xi32, #tpu.memory_space<hbm>> -> memref<1x125x80xi32, #tpu.memory_space<hbm>>
      %dma_start3A_21 = tpu.memref_squeeze %dma_start3A_20 : memref<1x125x80xi32, #tpu.memory_space<hbm>> -> memref<125x80xi32, #tpu.memory_space<hbm>>
      tpu.enqueue_dma source(%dma_start3A_21 : memref<125x80xi32, #tpu.memory_space<hbm>>) target(%arg7 : memref<125x80xi32, #tpu.memory_space<vmem>>) target_semaphore(%run_scoped3A : memref<!tpu.dma_semaphore, #tpu.memory_space<semaphore_mem>>)
      %dma_wait3A = arith.constant 0 : i32
      %dma_wait3A_22 = arith.constant 0 : i32
      %dma_wait3A_23 = tpu.memref_slice %arg2[%add3A, %dma_wait3A, %dma_wait3A_22] : memref<32x125x80xi32, #tpu.memory_space<hbm>> -> memref<1x125x80xi32, #tpu.memory_space<hbm>>
      %dma_wait3A_24 = tpu.memref_squeeze %dma_wait3A_23 : memref<1x125x80xi32, #tpu.memory_space<hbm>> -> memref<125x80xi32, #tpu.memory_space<hbm>>
      %dma_wait3A_25 = arith.constant 0 : i32
      %dma_wait3A_26 = arith.constant 0 : i32
      %dma_wait3A_27 = tpu.memref_slice %arg2[%add3A, %dma_wait3A_25, %dma_wait3A_26] : memref<32x125x80xi32, #tpu.memory_space<hbm>> -> memref<1x125x80xi32, #tpu.memory_space<hbm>>
      %dma_wait3A_28 = tpu.memref_squeeze %dma_wait3A_27 : memref<1x125x80xi32, #tpu.memory_space<hbm>> -> memref<125x80xi32, #tpu.memory_space<hbm>>
      tpu.wait_dma2 semaphore(%run_scoped3A : memref<!tpu.dma_semaphore, #tpu.memory_space<semaphore_mem>>) src(%dma_wait3A_28 : memref<125x80xi32, #tpu.memory_space<hbm>>) dst(%arg7 : memref<125x80xi32, #tpu.memory_space<vmem>>)
      tpu.yield
    }) : () -> ()
    "tpu.region"() ({
      %run_scoped3A = tpu.sem_alloc : memref<!tpu.dma_semaphore, #tpu.memory_space<semaphore_mem>>
      tpu.enqueue_dma source(%arg3 : memref<80x8xf32, #tpu.memory_space<hbm>>) target(%arg8 : memref<80x8xf32, #tpu.memory_space<vmem>>) target_semaphore(%run_scoped3A : memref<!tpu.dma_semaphore, #tpu.memory_space<semaphore_mem>>)
      tpu.wait_dma2 semaphore(%run_scoped3A : memref<!tpu.dma_semaphore, #tpu.memory_space<semaphore_mem>>) src(%arg3 : memref<80x8xf32, #tpu.memory_space<hbm>>) dst(%arg8 : memref<80x8xf32, #tpu.memory_space<vmem>>)
      tpu.yield
    }) : () -> ()
    %barrier3A = arith.constant 0 : index
    tpu.barrier barrier_id(%barrier3A)
    %scan3A = arith.constant 0 : i32
    %scan3A_5 = arith.constant 0 : i32
    %scan3A_6 = arith.constant 125 : i32
    %scan3A_7 = arith.addi %scan3A_5, %scan3A_6 : i32
    %scan3A_8 = arith.constant 1 : i32
    scf.for %scan3A_15 = %scan3A_5 to %scan3A_7 step %scan3A_8  : i32 {
      "tpu.region"() ({
        %run_scoped3A = tpu.sem_alloc : memref<!tpu.dma_semaphore, #tpu.memory_space<semaphore_mem>>
        %dma_start3A = arith.constant 0 : i32
        %dma_start3A_16 = tpu.memref_slice %arg7[%scan3A_15, %dma_start3A] : memref<125x80xi32, #tpu.memory_space<vmem>> -> memref<1x80xi32, #tpu.memory_space<vmem>>
        %dma_start3A_17 = tpu.memref_squeeze %dma_start3A_16 : memref<1x80xi32, #tpu.memory_space<vmem>> -> memref<80xi32, #tpu.memory_space<vmem>>
        %dma_start3A_18 = arith.constant 0 : i32
        %dma_start3A_19 = arith.constant 0 : i32
        %dma_start3A_20 = tpu.memref_slice %arg6[%dma_start3A_18, %dma_start3A_19] : memref<10240x8xf32, #tpu.memory_space<vmem_shared>> -> memref<10240x8xf32, #tpu.memory_space<vmem_shared>>
        tpu.enqueue_indirect_dma source(%arg8 : memref<80x8xf32, #tpu.memory_space<vmem>>) target(%dma_start3A_20 : memref<10240x8xf32, #tpu.memory_space<vmem_shared>>) offsets(%dma_start3A_17 : memref<80xi32, #tpu.memory_space<vmem>>) semaphore(%run_scoped3A : memref<!tpu.dma_semaphore, #tpu.memory_space<semaphore_mem>>) {add = true}
        %dma_wait3A = arith.constant 0 : i32
        %dma_wait3A_21 = tpu.memref_slice %arg7[%scan3A_15, %dma_wait3A] : memref<125x80xi32, #tpu.memory_space<vmem>> -> memref<1x80xi32, #tpu.memory_space<vmem>>
        %dma_wait3A_22 = tpu.memref_squeeze %dma_wait3A_21 : memref<1x80xi32, #tpu.memory_space<vmem>> -> memref<80xi32, #tpu.memory_space<vmem>>
        %dma_wait3A_23 = arith.constant 0 : i32
        %dma_wait3A_24 = arith.constant 0 : i32
        %dma_wait3A_25 = tpu.memref_slice %arg6[%dma_wait3A_23, %dma_wait3A_24] : memref<10240x8xf32, #tpu.memory_space<vmem_shared>> -> memref<10240x8xf32, #tpu.memory_space<vmem_shared>>
        tpu.wait_indirect_dma semaphore(%run_scoped3A : memref<!tpu.dma_semaphore, #tpu.memory_space<semaphore_mem>>) src(%arg8 : memref<80x8xf32, #tpu.memory_space<vmem>>) dst(%dma_wait3A_25 : memref<10240x8xf32, #tpu.memory_space<vmem_shared>>)
        tpu.yield
      }) : () -> ()
    }
    %scan3A_9 = arith.constant 125 : i32
    %barrier3A_10 = arith.constant 0 : index
    tpu.barrier barrier_id(%barrier3A_10)
    %mul3A_11 = arith.constant 640 : i32
    %mul3A_12 = arith.muli %arg1, %mul3A_11 : i32
    %mul3A_13 = arith.constant 640 : i32
    %mul3A_14 = arith.muli %arg1, %mul3A_13 : i32
    "tpu.region"() ({
      %run_scoped3A = tpu.sem_alloc : memref<!tpu.dma_semaphore, #tpu.memory_space<semaphore_mem>>
      %dma_start3A = arith.constant 0 : i32
      %dma_start3A_15 = tpu.memref_slice %arg5[%arg0, %mul3A_14, %dma_start3A] : memref<2x10240x8xf32, #tpu.memory_space<hbm>> -> memref<1x640x8xf32, #tpu.memory_space<hbm>>
      %dma_start3A_16 = tpu.memref_squeeze %dma_start3A_15 : memref<1x640x8xf32, #tpu.memory_space<hbm>> -> memref<640x8xf32, #tpu.memory_space<hbm>>
      %dma_start3A_17 = arith.constant 0 : i32
      %dma_start3A_18 = tpu.memref_slice %arg6[%mul3A_12, %dma_start3A_17] : memref<10240x8xf32, #tpu.memory_space<vmem_shared>> -> memref<640x8xf32, #tpu.memory_space<vmem_shared>>
      tpu.enqueue_dma source(%dma_start3A_18 : memref<640x8xf32, #tpu.memory_space<vmem_shared>>) target(%dma_start3A_16 : memref<640x8xf32, #tpu.memory_space<hbm>>) target_semaphore(%run_scoped3A : memref<!tpu.dma_semaphore, #tpu.memory_space<semaphore_mem>>)
      %dma_wait3A = arith.constant 0 : i32
      %dma_wait3A_19 = tpu.memref_slice %arg5[%arg0, %mul3A_14, %dma_wait3A] : memref<2x10240x8xf32, #tpu.memory_space<hbm>> -> memref<1x640x8xf32, #tpu.memory_space<hbm>>
      %dma_wait3A_20 = tpu.memref_squeeze %dma_wait3A_19 : memref<1x640x8xf32, #tpu.memory_space<hbm>> -> memref<640x8xf32, #tpu.memory_space<hbm>>
      %dma_wait3A_21 = arith.constant 0 : i32
      %dma_wait3A_22 = tpu.memref_slice %arg6[%mul3A_12, %dma_wait3A_21] : memref<10240x8xf32, #tpu.memory_space<vmem_shared>> -> memref<640x8xf32, #tpu.memory_space<vmem_shared>>
      tpu.wait_dma2 semaphore(%run_scoped3A : memref<!tpu.dma_semaphore, #tpu.memory_space<semaphore_mem>>) src(%dma_wait3A_22 : memref<640x8xf32, #tpu.memory_space<vmem_shared>>) dst(%dma_wait3A_20 : memref<640x8xf32, #tpu.memory_space<hbm>>)
      tpu.yield
    }) : () -> ()
    return
  }
}

module attributes {stable_mosaic.version = 14 : i64} {
  func.func @_tc_mm_body(%arg0: i32, %arg1: memref<1000x128xf32, #tpu.memory_space<vmem>>, %arg2: memref<128x32xf32, #tpu.memory_space<vmem>>, %arg3: memref<1x32xf32, #tpu.memory_space<vmem>>, %arg4: memref<32x32xf32, #tpu.memory_space<vmem>>, %arg5: memref<1x32xf32, #tpu.memory_space<vmem>>, %arg6: memref<1000x32xf32, #tpu.memory_space<vmem>>) attributes {dimension_semantics = [#tpu.dimension_semantics<arbitrary>], iteration_bounds = array<i64: 10>, scalar_prefetch = 0 : i64, scratch_operands = 0 : i64, tpu.core_type = #tpu.core_type<tc>, window_params = [{transform_indices = @transform_0, window_bounds = array<i64: 1000, 128>}, {pipeline_mode = #tpu.pipeline_mode<synchronous>, transform_indices = @transform_1, window_bounds = array<i64: 128, 32>}, {pipeline_mode = #tpu.pipeline_mode<synchronous>, transform_indices = @transform_2, window_bounds = array<i64: 1, 32>}, {pipeline_mode = #tpu.pipeline_mode<synchronous>, transform_indices = @transform_3, window_bounds = array<i64: 32, 32>}, {pipeline_mode = #tpu.pipeline_mode<synchronous>, transform_indices = @transform_4, window_bounds = array<i64: 1, 32>}, {transform_indices = @transform_5, window_bounds = array<i64: 1000, 32>}]} {
    %get3A = arith.constant 0 : index
    %get3A_0 = arith.constant 0 : index
    %get3A_1 = vector.load %arg1[%get3A, %get3A_0] : memref<1000x128xf32, #tpu.memory_space<vmem>>, vector<1000x128xf32>
    %get3A_2 = arith.constant 0 : index
    %get3A_3 = arith.constant 0 : index
    %get3A_4 = vector.load %arg2[%get3A_2, %get3A_3] : memref<128x32xf32, #tpu.memory_space<vmem>>, vector<128x32xf32>
    %convert_element_type3A = arith.truncf %get3A_1 : vector<1000x128xf32> to vector<1000x128xbf16>
    %convert_element_type3A_5 = arith.truncf %get3A_4 : vector<128x32xf32> to vector<128x32xbf16>
    %dot_general3A = arith.constant dense<0.000000e+00> : vector<1000x32xf32>
    %dot_general3A_6 = tpu.matmul %convert_element_type3A, %convert_element_type3A_5, %dot_general3A {dimension_numbers = #tpu.dot_dimension_numbers<[1], [0], [0], [1], [0, 0, 1, 1], [], []>, transpose_lhs_hint = false} : vector<1000x128xbf16>, vector<128x32xbf16>, vector<1000x32xf32> -> vector<1000x32xf32>
    %get3A_7 = arith.constant 0 : index
    %get3A_8 = arith.constant 0 : index
    %get3A_9 = vector.load %arg3[%get3A_7, %get3A_8] : memref<1x32xf32, #tpu.memory_space<vmem>>, vector<1x32xf32>
    %add3A = vector.broadcast %get3A_9 : vector<1x32xf32> to vector<1000x32xf32>
    %add3A_10 = arith.addf %dot_general3A_6, %add3A : vector<1000x32xf32>
    %max3A = arith.constant 0.000000e+00 : f32
    %max3A_11 = vector.broadcast %max3A : f32 to vector<1000x32xf32>
    %max3A_12 = arith.maximumf %add3A_10, %max3A_11 : vector<1000x32xf32>
    %get3A_13 = arith.constant 0 : index
    %get3A_14 = arith.constant 0 : index
    %get3A_15 = vector.load %arg4[%get3A_13, %get3A_14] : memref<32x32xf32, #tpu.memory_space<vmem>>, vector<32x32xf32>
    %convert_element_type3A_16 = arith.truncf %max3A_12 : vector<1000x32xf32> to vector<1000x32xbf16>
    %convert_element_type3A_17 = arith.truncf %get3A_15 : vector<32x32xf32> to vector<32x32xbf16>
    %dot_general3A_18 = arith.constant dense<0.000000e+00> : vector<1000x32xf32>
    %dot_general3A_19 = tpu.matmul %convert_element_type3A_16, %convert_element_type3A_17, %dot_general3A_18 {dimension_numbers = #tpu.dot_dimension_numbers<[1], [0], [0], [1], [0, 0, 1, 1], [], []>, transpose_lhs_hint = false} : vector<1000x32xbf16>, vector<32x32xbf16>, vector<1000x32xf32> -> vector<1000x32xf32>
    %get3A_20 = arith.constant 0 : index
    %get3A_21 = arith.constant 0 : index
    %get3A_22 = vector.load %arg5[%get3A_20, %get3A_21] : memref<1x32xf32, #tpu.memory_space<vmem>>, vector<1x32xf32>
    %add3A_23 = vector.broadcast %get3A_22 : vector<1x32xf32> to vector<1000x32xf32>
    %add3A_24 = arith.addf %dot_general3A_19, %add3A_23 : vector<1000x32xf32>
    %max3A_25 = arith.constant 0.000000e+00 : f32
    %max3A_26 = vector.broadcast %max3A_25 : f32 to vector<1000x32xf32>
    %max3A_27 = arith.maximumf %add3A_24, %max3A_26 : vector<1000x32xf32>
    %swap3A = arith.constant 0 : index
    %swap3A_28 = arith.constant 0 : index
    %swap3A_29 = vector.load %arg6[%swap3A, %swap3A_28] : memref<1000x32xf32, #tpu.memory_space<vmem>>, vector<1000x32xf32>
    tpu.vector_store %arg6[%swap3A, %swap3A_28], %max3A_27 {strides = array<i32>} : memref<1000x32xf32, #tpu.memory_space<vmem>>, vector<1000x32xf32>,
    return
  }
  func.func @transform_0(%arg0: i32) -> (i32, i32) {
    %c0_i32 = arith.constant 0 : i32
    %c0_i32_0 = arith.constant 0 : i32
    return %arg0, %c0_i32 : i32, i32
  }
  func.func @transform_1(%arg0: i32) -> (i32, i32) {
    %c0_i32 = arith.constant 0 : i32
    %c0_i32_0 = arith.constant 0 : i32
    %c0_i32_1 = arith.constant 0 : i32
    return %c0_i32, %c0_i32_0 : i32, i32
  }
  func.func @transform_2(%arg0: i32) -> (i32, i32) {
    %c0_i32 = arith.constant 0 : i32
    %c0_i32_0 = arith.constant 0 : i32
    %c0_i32_1 = arith.constant 0 : i32
    return %c0_i32, %c0_i32_0 : i32, i32
  }
  func.func @transform_3(%arg0: i32) -> (i32, i32) {
    %c0_i32 = arith.constant 0 : i32
    %c0_i32_0 = arith.constant 0 : i32
    %c0_i32_1 = arith.constant 0 : i32
    return %c0_i32, %c0_i32_0 : i32, i32
  }
  func.func @transform_4(%arg0: i32) -> (i32, i32) {
    %c0_i32 = arith.constant 0 : i32
    %c0_i32_0 = arith.constant 0 : i32
    %c0_i32_1 = arith.constant 0 : i32
    return %c0_i32, %c0_i32_0 : i32, i32
  }
  func.func @transform_5(%arg0: i32) -> (i32, i32) {
    %c0_i32 = arith.constant 0 : i32
    %c0_i32_0 = arith.constant 0 : i32
    return %arg0, %c0_i32 : i32, i32
  }
}

module attributes {stable_mosaic.version = 14 : i64} {
  func.func @_tc_norm_body(%arg0: i32, %arg1: memref<1000x32xf32, #tpu.memory_space<vmem>>, %arg2: memref<2x1000x8xf32, #tpu.memory_space<vmem>>, %arg3: memref<1000x32xf32, #tpu.memory_space<vmem>>) attributes {dimension_semantics = [#tpu.dimension_semantics<arbitrary>], iteration_bounds = array<i64: 10>, scalar_prefetch = 0 : i64, scratch_operands = 0 : i64, tpu.core_type = #tpu.core_type<tc>, window_params = [{transform_indices = @transform_0, window_bounds = array<i64: 1000, 32>}, {transform_indices = @transform_1, window_bounds = array<i64: 2, 1000, 8>}, {transform_indices = @transform_2, window_bounds = array<i64: 1000, 32>}]} {
    %get3A = arith.constant 0 : index
    %get3A_0 = arith.constant 0 : index
    %get3A_1 = vector.load %arg1[%get3A, %get3A_0] : memref<1000x32xf32, #tpu.memory_space<vmem>>, vector<1000x32xf32>
    %get3A_2 = arith.constant 0 : index
    %get3A_3 = arith.constant 0 : index
    %get3A_4 = arith.constant 0 : index
    %get3A_5 = vector.load %arg2[%get3A_2, %get3A_3, %get3A_4] : memref<2x1000x8xf32, #tpu.memory_space<vmem>>, vector<1x1000x8xf32>
    %get3A_6 = vector.shape_cast %get3A_5 : vector<1x1000x8xf32> to vector<1000x8xf32>
    %get3A_7 = arith.constant 1 : index
    %get3A_8 = arith.constant 0 : index
    %get3A_9 = arith.constant 0 : index
    %get3A_10 = vector.load %arg2[%get3A_7, %get3A_8, %get3A_9] : memref<2x1000x8xf32, #tpu.memory_space<vmem>>, vector<1x1000x8xf32>
    %get3A_11 = vector.shape_cast %get3A_10 : vector<1x1000x8xf32> to vector<1000x8xf32>
    %add3A = arith.addf %get3A_6, %get3A_11 : vector<1000x8xf32>
    %slice3A = vector.extract_strided_slice %add3A {offsets = [0, 0], sizes = [1000, 1], strides = [1, 1]} : vector<1000x8xf32> to vector<1000x1xf32>
    %max3A = arith.constant 1.000000e+00 : f32
    %max3A_12 = vector.broadcast %max3A : f32 to vector<1000x1xf32>
    %max3A_13 = arith.maximumf %slice3A, %max3A_12 : vector<1000x1xf32>
    %rsqrt3A = math.rsqrt %max3A_13 : vector<1000x1xf32>
    %mul3A = vector.broadcast %rsqrt3A : vector<1000x1xf32> to vector<1000x32xf32>
    %mul3A_14 = arith.mulf %get3A_1, %mul3A : vector<1000x32xf32>
    %swap3A = arith.constant 0 : index
    %swap3A_15 = arith.constant 0 : index
    %swap3A_16 = vector.load %arg3[%swap3A, %swap3A_15] : memref<1000x32xf32, #tpu.memory_space<vmem>>, vector<1000x32xf32>
    tpu.vector_store %arg3[%swap3A, %swap3A_15], %mul3A_14 {strides = array<i32>} : memref<1000x32xf32, #tpu.memory_space<vmem>>, vector<1000x32xf32>,
    return
  }
  func.func @transform_0(%arg0: i32) -> (i32, i32) {
    %c0_i32 = arith.constant 0 : i32
    %c0_i32_0 = arith.constant 0 : i32
    return %arg0, %c0_i32 : i32, i32
  }
  func.func @transform_1(%arg0: i32) -> (i32, i32, i32) {
    %c0_i32 = arith.constant 0 : i32
    %c0_i32_0 = arith.constant 0 : i32
    %c0_i32_1 = arith.constant 0 : i32
    return %c0_i32, %arg0, %c0_i32_0 : i32, i32, i32
  }
  func.func @transform_2(%arg0: i32) -> (i32, i32) {
    %c0_i32 = arith.constant 0 : i32
    %c0_i32_0 = arith.constant 0 : i32
    return %arg0, %c0_i32 : i32, i32
  }
}

module attributes {stable_mosaic.version = 14 : i64} {
  func.func @_tc_mid_body(%arg0: i32, %arg1: memref<1000x32xf32, #tpu.memory_space<vmem>>, %arg2: memref<2x1000x32xf32, #tpu.memory_space<vmem>>, %arg3: memref<2x1000x8xf32, #tpu.memory_space<vmem>>, %arg4: memref<1000x32xf32, #tpu.memory_space<vmem>>, %arg5: memref<1000x32xf32, #tpu.memory_space<vmem>>) attributes {dimension_semantics = [#tpu.dimension_semantics<arbitrary>], iteration_bounds = array<i64: 10>, scalar_prefetch = 0 : i64, scratch_operands = 0 : i64, tpu.core_type = #tpu.core_type<tc>, window_params = [{transform_indices = @transform_0, window_bounds = array<i64: 1000, 32>}, {transform_indices = @transform_1, window_bounds = array<i64: 2, 1000, 32>}, {transform_indices = @transform_2, window_bounds = array<i64: 2, 1000, 8>}, {transform_indices = @transform_3, window_bounds = array<i64: 1000, 32>}, {transform_indices = @transform_4, window_bounds = array<i64: 1000, 32>}]} {
    %get3A = arith.constant 0 : index
    %get3A_0 = arith.constant 0 : index
    %get3A_1 = arith.constant 0 : index
    %get3A_2 = vector.load %arg3[%get3A, %get3A_0, %get3A_1] : memref<2x1000x8xf32, #tpu.memory_space<vmem>>, vector<1x1000x8xf32>
    %get3A_3 = vector.shape_cast %get3A_2 : vector<1x1000x8xf32> to vector<1000x8xf32>
    %get3A_4 = arith.constant 1 : index
    %get3A_5 = arith.constant 0 : index
    %get3A_6 = arith.constant 0 : index
    %get3A_7 = vector.load %arg3[%get3A_4, %get3A_5, %get3A_6] : memref<2x1000x8xf32, #tpu.memory_space<vmem>>, vector<1x1000x8xf32>
    %get3A_8 = vector.shape_cast %get3A_7 : vector<1x1000x8xf32> to vector<1000x8xf32>
    %add3A = arith.addf %get3A_3, %get3A_8 : vector<1000x8xf32>
    %slice3A = vector.extract_strided_slice %add3A {offsets = [0, 0], sizes = [1000, 1], strides = [1, 1]} : vector<1000x8xf32> to vector<1000x1xf32>
    %max3A = arith.constant 1.000000e+00 : f32
    %max3A_9 = vector.broadcast %max3A : f32 to vector<1000x1xf32>
    %max3A_10 = arith.maximumf %slice3A, %max3A_9 : vector<1000x1xf32>
    %rsqrt3A = math.rsqrt %max3A_10 : vector<1000x1xf32>
    %get3A_11 = arith.constant 0 : index
    %get3A_12 = arith.constant 0 : index
    %get3A_13 = vector.load %arg1[%get3A_11, %get3A_12] : memref<1000x32xf32, #tpu.memory_space<vmem>>, vector<1000x32xf32>
    %get3A_14 = arith.constant 0 : index
    %get3A_15 = arith.constant 0 : index
    %get3A_16 = arith.constant 0 : index
    %get3A_17 = vector.load %arg2[%get3A_14, %get3A_15, %get3A_16] : memref<2x1000x32xf32, #tpu.memory_space<vmem>>, vector<1x1000x32xf32>
    %get3A_18 = vector.shape_cast %get3A_17 : vector<1x1000x32xf32> to vector<1000x32xf32>
    %get3A_19 = arith.constant 1 : index
    %get3A_20 = arith.constant 0 : index
    %get3A_21 = arith.constant 0 : index
    %get3A_22 = vector.load %arg2[%get3A_19, %get3A_20, %get3A_21] : memref<2x1000x32xf32, #tpu.memory_space<vmem>>, vector<1x1000x32xf32>
    %get3A_23 = vector.shape_cast %get3A_22 : vector<1x1000x32xf32> to vector<1000x32xf32>
    %add3A_24 = arith.addf %get3A_18, %get3A_23 : vector<1000x32xf32>
    %mul3A = vector.broadcast %rsqrt3A : vector<1000x1xf32> to vector<1000x32xf32>
    %mul3A_25 = arith.mulf %add3A_24, %mul3A : vector<1000x32xf32>
    %sub3A = arith.subf %get3A_13, %mul3A_25 : vector<1000x32xf32>
    %swap3A = arith.constant 0 : index
    %swap3A_26 = arith.constant 0 : index
    %swap3A_27 = vector.load %arg4[%swap3A, %swap3A_26] : memref<1000x32xf32, #tpu.memory_space<vmem>>, vector<1000x32xf32>
    tpu.vector_store %arg4[%swap3A, %swap3A_26], %sub3A {strides = array<i32>} : memref<1000x32xf32, #tpu.memory_space<vmem>>, vector<1000x32xf32>,
    %mul3A_28 = vector.broadcast %rsqrt3A : vector<1000x1xf32> to vector<1000x32xf32>
    %mul3A_29 = arith.mulf %sub3A, %mul3A_28 : vector<1000x32xf32>
    %swap3A_30 = arith.constant 0 : index
    %swap3A_31 = arith.constant 0 : index
    %swap3A_32 = vector.load %arg5[%swap3A_30, %swap3A_31] : memref<1000x32xf32, #tpu.memory_space<vmem>>, vector<1000x32xf32>
    tpu.vector_store %arg5[%swap3A_30, %swap3A_31], %mul3A_29 {strides = array<i32>} : memref<1000x32xf32, #tpu.memory_space<vmem>>, vector<1000x32xf32>,
    return
  }
  func.func @transform_0(%arg0: i32) -> (i32, i32) {
    %c0_i32 = arith.constant 0 : i32
    %c0_i32_0 = arith.constant 0 : i32
    return %arg0, %c0_i32 : i32, i32
  }
  func.func @transform_1(%arg0: i32) -> (i32, i32, i32) {
    %c0_i32 = arith.constant 0 : i32
    %c0_i32_0 = arith.constant 0 : i32
    %c0_i32_1 = arith.constant 0 : i32
    return %c0_i32, %arg0, %c0_i32_0 : i32, i32, i32
  }
  func.func @transform_2(%arg0: i32) -> (i32, i32, i32) {
    %c0_i32 = arith.constant 0 : i32
    %c0_i32_0 = arith.constant 0 : i32
    %c0_i32_1 = arith.constant 0 : i32
    return %c0_i32, %arg0, %c0_i32_0 : i32, i32, i32
  }
  func.func @transform_3(%arg0: i32) -> (i32, i32) {
    %c0_i32 = arith.constant 0 : i32
    %c0_i32_0 = arith.constant 0 : i32
    return %arg0, %c0_i32 : i32, i32
  }
  func.func @transform_4(%arg0: i32) -> (i32, i32) {
    %c0_i32 = arith.constant 0 : i32
    %c0_i32_0 = arith.constant 0 : i32
    return %arg0, %c0_i32 : i32, i32
  }
}

module attributes {stable_mosaic.version = 14 : i64} {
  func.func @_tc_post_body(%arg0: i32, %arg1: memref<1000x32xf32, #tpu.memory_space<vmem>>, %arg2: memref<1000x32xf32, #tpu.memory_space<vmem>>, %arg3: memref<2x1000x32xf32, #tpu.memory_space<vmem>>, %arg4: memref<2x1000x8xf32, #tpu.memory_space<vmem>>, %arg5: memref<96x32xf32, #tpu.memory_space<vmem>>, %arg6: memref<1x32xf32, #tpu.memory_space<vmem>>, %arg7: memref<32x2xf32, #tpu.memory_space<vmem>>, %arg8: memref<1x2xf32, #tpu.memory_space<vmem>>, %arg9: memref<1000x2xf32, #tpu.memory_space<vmem>>) attributes {dimension_semantics = [#tpu.dimension_semantics<arbitrary>], iteration_bounds = array<i64: 10>, scalar_prefetch = 0 : i64, scratch_operands = 0 : i64, tpu.core_type = #tpu.core_type<tc>, window_params = [{transform_indices = @transform_0, window_bounds = array<i64: 1000, 32>}, {transform_indices = @transform_1, window_bounds = array<i64: 1000, 32>}, {transform_indices = @transform_2, window_bounds = array<i64: 2, 1000, 32>}, {transform_indices = @transform_3, window_bounds = array<i64: 2, 1000, 8>}, {pipeline_mode = #tpu.pipeline_mode<synchronous>, transform_indices = @transform_4, window_bounds = array<i64: 96, 32>}, {pipeline_mode = #tpu.pipeline_mode<synchronous>, transform_indices = @transform_5, window_bounds = array<i64: 1, 32>}, {pipeline_mode = #tpu.pipeline_mode<synchronous>, transform_indices = @transform_6, window_bounds = array<i64: 32, 2>}, {pipeline_mode = #tpu.pipeline_mode<synchronous>, transform_indices = @transform_7, window_bounds = array<i64: 1, 2>}, {transform_indices = @transform_8, window_bounds = array<i64: 1000, 2>}]} {
    %get3A = arith.constant 0 : index
    %get3A_0 = arith.constant 0 : index
    %get3A_1 = arith.constant 0 : index
    %get3A_2 = vector.load %arg4[%get3A, %get3A_0, %get3A_1] : memref<2x1000x8xf32, #tpu.memory_space<vmem>>, vector<1x1000x8xf32>
    %get3A_3 = vector.shape_cast %get3A_2 : vector<1x1000x8xf32> to vector<1000x8xf32>
    %get3A_4 = arith.constant 1 : index
    %get3A_5 = arith.constant 0 : index
    %get3A_6 = arith.constant 0 : index
    %get3A_7 = vector.load %arg4[%get3A_4, %get3A_5, %get3A_6] : memref<2x1000x8xf32, #tpu.memory_space<vmem>>, vector<1x1000x8xf32>
    %get3A_8 = vector.shape_cast %get3A_7 : vector<1x1000x8xf32> to vector<1000x8xf32>
    %add3A = arith.addf %get3A_3, %get3A_8 : vector<1000x8xf32>
    %slice3A = vector.extract_strided_slice %add3A {offsets = [0, 0], sizes = [1000, 1], strides = [1, 1]} : vector<1000x8xf32> to vector<1000x1xf32>
    %max3A = arith.constant 1.000000e+00 : f32
    %max3A_9 = vector.broadcast %max3A : f32 to vector<1000x1xf32>
    %max3A_10 = arith.maximumf %slice3A, %max3A_9 : vector<1000x1xf32>
    %rsqrt3A = math.rsqrt %max3A_10 : vector<1000x1xf32>
    %get3A_11 = arith.constant 0 : index
    %get3A_12 = arith.constant 0 : index
    %get3A_13 = vector.load %arg1[%get3A_11, %get3A_12] : memref<1000x32xf32, #tpu.memory_space<vmem>>, vector<1000x32xf32>
    %get3A_14 = arith.constant 0 : index
    %get3A_15 = arith.constant 0 : index
    %get3A_16 = vector.load %arg2[%get3A_14, %get3A_15] : memref<1000x32xf32, #tpu.memory_space<vmem>>, vector<1000x32xf32>
    %get3A_17 = arith.constant 0 : index
    %get3A_18 = arith.constant 0 : index
    %get3A_19 = arith.constant 0 : index
    %get3A_20 = vector.load %arg3[%get3A_17, %get3A_18, %get3A_19] : memref<2x1000x32xf32, #tpu.memory_space<vmem>>, vector<1x1000x32xf32>
    %get3A_21 = vector.shape_cast %get3A_20 : vector<1x1000x32xf32> to vector<1000x32xf32>
    %get3A_22 = arith.constant 1 : index
    %get3A_23 = arith.constant 0 : index
    %get3A_24 = arith.constant 0 : index
    %get3A_25 = vector.load %arg3[%get3A_22, %get3A_23, %get3A_24] : memref<2x1000x32xf32, #tpu.memory_space<vmem>>, vector<1x1000x32xf32>
    %get3A_26 = vector.shape_cast %get3A_25 : vector<1x1000x32xf32> to vector<1000x32xf32>
    %add3A_27 = arith.addf %get3A_21, %get3A_26 : vector<1000x32xf32>
    %mul3A = vector.broadcast %rsqrt3A : vector<1000x1xf32> to vector<1000x32xf32>
    %mul3A_28 = arith.mulf %add3A_27, %mul3A : vector<1000x32xf32>
    %sub3A = arith.subf %get3A_16, %mul3A_28 : vector<1000x32xf32>
    %mul3A_29 = arith.constant 3.000000e+00 : f32
    %mul3A_30 = vector.broadcast %mul3A_29 : f32 to vector<1000x32xf32>
    %mul3A_31 = arith.mulf %mul3A_30, %get3A_13 : vector<1000x32xf32>
    %mul3A_32 = arith.constant -3.000000e+00 : f32
    %mul3A_33 = vector.broadcast %mul3A_32 : f32 to vector<1000x32xf32>
    %mul3A_34 = arith.mulf %mul3A_33, %get3A_16 : vector<1000x32xf32>
    %add3A_35 = arith.addf %mul3A_31, %mul3A_34 : vector<1000x32xf32>
    %mul3A_36 = arith.constant 7.500000e-01 : f32
    %mul3A_37 = vector.broadcast %mul3A_36 : f32 to vector<1000x32xf32>
    %mul3A_38 = arith.mulf %mul3A_37, %sub3A : vector<1000x32xf32>
    %add3A_39 = arith.addf %add3A_35, %mul3A_38 : vector<1000x32xf32>
    %mul3A_40 = arith.constant 3.000000e+00 : f32
    %mul3A_41 = vector.broadcast %mul3A_40 : f32 to vector<1000x32xf32>
    %mul3A_42 = arith.mulf %mul3A_41, %get3A_16 : vector<1000x32xf32>
    %mul3A_43 = arith.constant -1.500000e+00 : f32
    %mul3A_44 = vector.broadcast %mul3A_43 : f32 to vector<1000x32xf32>
    %mul3A_45 = arith.mulf %mul3A_44, %sub3A : vector<1000x32xf32>
    %add3A_46 = arith.addf %mul3A_42, %mul3A_45 : vector<1000x32xf32>
    %mul3A_47 = arith.constant 7.500000e-01 : f32
    %mul3A_48 = vector.broadcast %mul3A_47 : f32 to vector<1000x32xf32>
    %mul3A_49 = arith.mulf %mul3A_48, %sub3A : vector<1000x32xf32>
    %concatenate3A = tpu.concatenate %add3A_39, %add3A_46, %mul3A_49 in 1 : vector<1000x32xf32>, vector<1000x32xf32>, vector<1000x32xf32> -> vector<1000x96xf32>
    %get3A_50 = arith.constant 0 : index
    %get3A_51 = arith.constant 0 : index
    %get3A_52 = vector.load %arg5[%get3A_50, %get3A_51] : memref<96x32xf32, #tpu.memory_space<vmem>>, vector<96x32xf32>
    %convert_element_type3A = arith.truncf %concatenate3A : vector<1000x96xf32> to vector<1000x96xbf16>
    %convert_element_type3A_53 = arith.truncf %get3A_52 : vector<96x32xf32> to vector<96x32xbf16>
    %dot_general3A = arith.constant dense<0.000000e+00> : vector<1000x32xf32>
    %dot_general3A_54 = tpu.matmul %convert_element_type3A, %convert_element_type3A_53, %dot_general3A {dimension_numbers = #tpu.dot_dimension_numbers<[1], [0], [0], [1], [0, 0, 1, 1], [], []>, transpose_lhs_hint = false} : vector<1000x96xbf16>, vector<96x32xbf16>, vector<1000x32xf32> -> vector<1000x32xf32>
    %get3A_55 = arith.constant 0 : index
    %get3A_56 = arith.constant 0 : index
    %get3A_57 = vector.load %arg6[%get3A_55, %get3A_56] : memref<1x32xf32, #tpu.memory_space<vmem>>, vector<1x32xf32>
    %add3A_58 = vector.broadcast %get3A_57 : vector<1x32xf32> to vector<1000x32xf32>
    %add3A_59 = arith.addf %dot_general3A_54, %add3A_58 : vector<1000x32xf32>
    %max3A_60 = arith.constant 0.000000e+00 : f32
    %max3A_61 = vector.broadcast %max3A_60 : f32 to vector<1000x32xf32>
    %max3A_62 = arith.maximumf %add3A_59, %max3A_61 : vector<1000x32xf32>
    %get3A_63 = arith.constant 0 : index
    %get3A_64 = arith.constant 0 : index
    %get3A_65 = vector.load %arg7[%get3A_63, %get3A_64] : memref<32x2xf32, #tpu.memory_space<vmem>>, vector<32x2xf32>
    %convert_element_type3A_66 = arith.truncf %max3A_62 : vector<1000x32xf32> to vector<1000x32xbf16>
    %convert_element_type3A_67 = arith.truncf %get3A_65 : vector<32x2xf32> to vector<32x2xbf16>
    %dot_general3A_68 = arith.constant dense<0.000000e+00> : vector<1000x2xf32>
    %dot_general3A_69 = tpu.matmul %convert_element_type3A_66, %convert_element_type3A_67, %dot_general3A_68 {dimension_numbers = #tpu.dot_dimension_numbers<[1], [0], [0], [1], [0, 0, 1, 1], [], []>, transpose_lhs_hint = false} : vector<1000x32xbf16>, vector<32x2xbf16>, vector<1000x2xf32> -> vector<1000x2xf32>
    %get3A_70 = arith.constant 0 : index
    %get3A_71 = arith.constant 0 : index
    %get3A_72 = vector.load %arg8[%get3A_70, %get3A_71] : memref<1x2xf32, #tpu.memory_space<vmem>>, vector<1x2xf32>
    %add3A_73 = vector.broadcast %get3A_72 : vector<1x2xf32> to vector<1000x2xf32>
    %add3A_74 = arith.addf %dot_general3A_69, %add3A_73 : vector<1000x2xf32>
    %swap3A = arith.constant 0 : index
    %swap3A_75 = arith.constant 0 : index
    %swap3A_76 = vector.load %arg9[%swap3A, %swap3A_75] : memref<1000x2xf32, #tpu.memory_space<vmem>>, vector<1000x2xf32>
    tpu.vector_store %arg9[%swap3A, %swap3A_75], %add3A_74 {strides = array<i32>} : memref<1000x2xf32, #tpu.memory_space<vmem>>, vector<1000x2xf32>,
    return
  }
  func.func @transform_0(%arg0: i32) -> (i32, i32) {
    %c0_i32 = arith.constant 0 : i32
    %c0_i32_0 = arith.constant 0 : i32
    return %arg0, %c0_i32 : i32, i32
  }
  func.func @transform_1(%arg0: i32) -> (i32, i32) {
    %c0_i32 = arith.constant 0 : i32
    %c0_i32_0 = arith.constant 0 : i32
    return %arg0, %c0_i32 : i32, i32
  }
  func.func @transform_2(%arg0: i32) -> (i32, i32, i32) {
    %c0_i32 = arith.constant 0 : i32
    %c0_i32_0 = arith.constant 0 : i32
    %c0_i32_1 = arith.constant 0 : i32
    return %c0_i32, %arg0, %c0_i32_0 : i32, i32, i32
  }
  func.func @transform_3(%arg0: i32) -> (i32, i32, i32) {
    %c0_i32 = arith.constant 0 : i32
    %c0_i32_0 = arith.constant 0 : i32
    %c0_i32_1 = arith.constant 0 : i32
    return %c0_i32, %arg0, %c0_i32_0 : i32, i32, i32
  }
  func.func @transform_4(%arg0: i32) -> (i32, i32) {
    %c0_i32 = arith.constant 0 : i32
    %c0_i32_0 = arith.constant 0 : i32
    %c0_i32_1 = arith.constant 0 : i32
    return %c0_i32, %c0_i32_0 : i32, i32
  }
  func.func @transform_5(%arg0: i32) -> (i32, i32) {
    %c0_i32 = arith.constant 0 : i32
    %c0_i32_0 = arith.constant 0 : i32
    %c0_i32_1 = arith.constant 0 : i32
    return %c0_i32, %c0_i32_0 : i32, i32
  }
  func.func @transform_6(%arg0: i32) -> (i32, i32) {
    %c0_i32 = arith.constant 0 : i32
    %c0_i32_0 = arith.constant 0 : i32
    %c0_i32_1 = arith.constant 0 : i32
    return %c0_i32, %c0_i32_0 : i32, i32
  }
  func.func @transform_7(%arg0: i32) -> (i32, i32) {
    %c0_i32 = arith.constant 0 : i32
    %c0_i32_0 = arith.constant 0 : i32
    %c0_i32_1 = arith.constant 0 : i32
    return %c0_i32, %c0_i32_0 : i32, i32
  }
  func.func @transform_8(%arg0: i32) -> (i32, i32) {
    %c0_i32 = arith.constant 0 : i32
    %c0_i32_0 = arith.constant 0 : i32
    return %arg0, %c0_i32 : i32, i32
  }
}

</mosaic_0001>

<sc_bundles>
// kernel: kernel.12.cloned.1.call-start
scs
__scs_entry_jumppad:
0x0: {  	(pc) =	sbr.rel $0x88, $3  }
0x1: {  	(tag) =	ssettag $0x0;
	lr =	simm.s32 $0x1  }
0x2: {  	[smem:$0x3F97] =	sst lr;
	_ =	strace $0xD0000000  }
0x3: {  	_ = 	snop  }
0x4: {  	_ = 	snop  }
0x5: {  	_ = 	snop  }
0x6: {  	_ = 	snop  }
0x7: {  	_ = 	snop  }
__scs_overlays_trampoline_lowered:
0x8: {  	[smem:$0x3FA6] =	sst s0  }
0x9: {  	[smem:$0x3FA7] =	sst s1  }
0xa: {  	[smem:$0x3FA8] =	sst s2  }
0xb: {  	[smem:$0x3FA9] =	sst s3  }
0xc: {  	[smem:$0x3FAA] =	sst s4  }
0xd: {  	[smem:$0x3FAB] =	sst s5  }
0xe: {  	[smem:$0x3FAC] =	sst s6  }
0xf: {  	[smem:$0x3FAD] =	sst s7  }
0x10: {  	[smem:$0x3FAE] =	sst s8  }
0x11: {  	[smem:$0x3FAF] =	sst s9;
	s0 =	simm.s32 @!p0 $0x0  }
0x12: {  	s1 =	sld [smem:$0x3F95];
	s0 =	simm.s32 @p0 $0x1  }
0x13: {  	[smem:$0x3FB0] =	sst s0;
	s0 =	simm.s32 @!p1 $0x0  }
0x14: {  	s2 =	sld [smem:$0x3F94];
	s0 =	simm.s32 @p1 $0x1  }
0x15: {  	[smem:$0x3FB1] =	sst s0;
	s0 =	simm.s32 @!p2 $0x0  }
0x16: {  	s3 =	sld [smem:$0x3FDB];
	s0 =	simm.s32 @p2 $0x1  }
0x17: {  	s4 =	simm.s32 $0x1BF5;
	[smem:$0x3FB3] =	sst s0  }
0x18: {  	s0 =	sld [smem:$0x3F96];
	_ =	swait.ge [sflag:s4], $0x0  }
0x19: {  	s7 =	sld [smem:$0x3F97]  }
0x1a: {  	s8 =	sadd.s32 $0xFFFFE003, lr  }
0x1b: {  	s9 =	sadd.s32 $0xFFFFFEF7, lr;
	s5 =	simm.s32 $0xFFFFFFFF;
	p2 =	slt.u32 s8, $0xFFFFF086  }
0x1c: {  	p1 =	slt.u32 s9, $0xF7A;
	s5 =	simm.s32 @!p2 $0x0  }
0x1d: {  	s5 =	simm.s32 @p1 $0x1;
	p0 =	seq.s32 s7, s2  }
0x1e: {  	s7 =	smul.u32 @!p0 $0xF7A, s2;
	p2 =	seq.s32 @!p0 s5, $0x0  }
0x1f: {  	s9 =	smul.u32 $0xF7A, s1;
	s8 =	simm.s32 @!p0 $0x1BF5;
	p2 =	por !p2, p0  }
0x20: {  	[sflag:s8] =	ssyncset.s32 @!p0 $0xFFFFF086;
	s6 =	sadd.s32 @!p0 s3, s7;
	s7 =	simm.s32 @!p0 $0x108  }
0x21: {  	s3 =	sadd.s32 s3, s9;
	s6 =	sadd.s32 @!p0 $0x88, s6;
	s7 =	simm.s32 @p2 $0x1082  }
0x22: {  	[simem:s7], [sflag:s8] =	dma.local @!p0 [hbm:s6], $0xF7A  }
0x23: {  	s9 =	sor.u32 $0xD0000000, s2;
	s6 =	simm.s32 $0x108;
	_ =	swait.ge @!p0 [sflag:s8], $0x0  }
0x24: {  	s3 =	sadd.s32 $0x88, s3;
	s6 =	simm.s32 @!p1 $0x1082;
	[sflag:s4] =	ssyncset.s32 $0xFFFFF086  }
0x25: {  	[simem:s6], [sflag:s4] =	dma.local [hbm:s3], $0xF7A  }
0x26: {  	[smem:$0x3F97] =	sst s1;
	(tag) =	ssettag s2;
	_ =	strace s9  }
0x27: {  	s1 =	sld [smem:$0x3FA7]  }
0x28: {  	s2 =	sld [smem:$0x3FA8]  }
0x29: {  	s4 =	sld [smem:$0x3FAA]  }
0x2a: {  	p0 =	seq.s32 s5, $0x0;
	s5 =	sld [smem:$0x3FAB]  }
0x2b: {  	s6 =	sld [smem:$0x3FAC]  }
0x2c: {  	s7 =	sld [smem:$0x3FAD]  }
0x2d: {  	s3 =	simm.s32 $0x108;
	s8 =	sld [smem:$0x3FAE]  }
0x2e: {  	s3 =	simm.s32 @!p0 $0x1082;
	s9 =	sld [smem:$0x3FAF]  }
0x2f: {  	lr =	sadd.s32 s0, s3;
	s0 =	sld [smem:$0x3FA6]  }
0x30: {  	s3 =	sld [smem:$0x3FA9]  }
0x31: {  	[smem:$0x3FB2] =	sst s10  }
0x32: {  	s10 =	sld [smem:$0x3FB0];
	_ =	sdelay $0x3  }
0x33: {  	p0 =	seq.s32 s10, $0x1;
	s10 =	sld [smem:$0x3FB2];
	_ =	sdelay $0x3  }
0x34: {  	[smem:$0x3FB2] =	sst s10  }
0x35: {  	s10 =	sld [smem:$0x3FB1];
	_ =	sdelay $0x3  }
0x36: {  	p1 =	seq.s32 s10, $0x1;
	s10 =	sld [smem:$0x3FB2];
	_ =	sdelay $0x3  }
0x37: {  	[smem:$0x3FB2] =	sst s10  }
0x38: {  	s10 =	sld [smem:$0x3FB3]  }
0x39: {  	_ = 	snop;
	(pc) =	sbr.ind lr, $3  }
0x3a: {  	_ = 	snop  }
0x3b: {  	_ = 	snop  }
0x3c: {  	p2 =	seq.s32 s10, $0x1;
	s10 =	sld [smem:$0x3FB2]  }
0x3d: {  	_ =	shalt  }
0x3e: {  	_ =	shalt  }
0x3f: {  	_ =	shalt  }
0x40: {  	_ =	shalt  }
0x41: {  	_ =	shalt  }
0x42: {  	_ =	shalt  }
0x43: {  	_ =	shalt  }
0x44: {  	_ =	shalt  }
0x45: {  	_ =	shalt  }
0x46: {  	_ =	shalt  }
0x47: {  	_ =	shalt  }
0x48: {  	_ =	shalt  }
0x49: {  	_ =	shalt  }
0x4a: {  	_ =	shalt  }
0x4b: {  	_ =	shalt  }
0x4c: {  	_ =	shalt  }
0x4d: {  	_ =	shalt  }
0x4e: {  	_ =	shalt  }
0x4f: {  	_ =	shalt  }
0x50: {  	_ =	shalt  }
0x51: {  	_ =	shalt  }
0x52: {  	_ =	shalt  }
0x53: {  	_ =	shalt  }
0x54: {  	_ =	shalt  }
0x55: {  	_ =	shalt  }
0x56: {  	_ =	shalt  }
0x57: {  	_ =	shalt  }
0x58: {  	_ =	shalt  }
0x59: {  	_ =	shalt  }
0x5a: {  	_ =	shalt  }
0x5b: {  	_ =	shalt  }
0x5c: {  	_ =	shalt  }
0x5d: {  	_ =	shalt  }
0x5e: {  	_ =	shalt  }
0x5f: {  	_ =	shalt  }
0x60: {  	_ =	shalt  }
0x61: {  	_ =	shalt  }
0x62: {  	_ =	shalt  }
0x63: {  	_ =	shalt  }
0x64: {  	_ =	shalt  }
0x65: {  	_ =	shalt  }
0x66: {  	_ =	shalt  }
0x67: {  	_ =	shalt  }
0x68: {  	_ =	shalt  }
0x69: {  	_ =	shalt  }
0x6a: {  	_ =	shalt  }
0x6b: {  	_ =	shalt  }
0x6c: {  	_ =	shalt  }
0x6d: {  	_ =	shalt  }
0x6e: {  	_ =	shalt  }
0x6f: {  	_ =	shalt  }
0x70: {  	_ =	shalt  }
0x71: {  	_ =	shalt  }
0x72: {  	_ =	shalt  }
0x73: {  	_ =	shalt  }
0x74: {  	_ =	shalt  }
0x75: {  	_ =	shalt  }
0x76: {  	_ =	shalt  }
0x77: {  	_ =	shalt  }
0x78: {  	_ =	shalt  }
0x79: {  	_ =	shalt  }
0x7a: {  	_ =	shalt  }
0x7b: {  	_ =	shalt  }
0x7c: {  	_ =	shalt  }
0x7d: {  	_ =	shalt  }
0x7e: {  	_ =	shalt  }
0x7f: {  	_ =	shalt  }
0x80: {  	_ =	shalt  }
0x81: {  	_ =	shalt  }
0x82: {  	_ =	shalt  }
0x83: {  	_ =	shalt  }
0x84: {  	_ =	shalt  }
0x85: {  	_ =	shalt  }
0x86: {  	_ =	shalt  }
0x87: {  	_ =	shalt  }
.Lfunc_end0:
.L_simem_size_0:
called_computation.1_lowered:
.L_overlay_start_0:
0x88: {  	s2 =	sld [smem:$0x3FD9]  }
0x89: {  	s3 =	sld [smem:$0x3FFE];
	_ =	sdelay $0x1  }
0x8a: {  	s1 =	srdreg.scid  }
0x8b: {  	s0 =	sand.u32 $0x1, s1  }
0x8c: {  	s16 =	sshll.u32 s0, $0xA;
	s2 =	sadd.s32 s3, s2  }
0x8d: {  	s2 =	sadd.s32 s2, s16  }
0x8e: {  	[smem:$0x3FBE] =	sst s2  }
0x8f: {  	_ = 	snop  }
0x90: {  	(tm) =	ssettm $0x1  }
0x91: {  	s17 =	sld [smem:$0x3FFB];
	_ =	sdelay $0x3  }
0x92: {  	_ =	strace s17  }
0x93: {  	s2 =	sld [smem:$0x3FFC];
	_ =	sdelay $0x3  }
0x94: {  	_ =	strace s2  }
0x95: {  	s2 =	sld [smem:$0x3FFD];
	_ =	sdelay $0x3  }
0x96: {  	_ =	strace s2  }
0x97: {  	_ =	strace $0x8FFFFFFF  }
0x98: {  	s18 =	sld [smem:$0x3FDB];
	_ =	sdelay $0x1  }
0x99: {  	s19 =	simm.s32 $_scs_section_size  }
0x9a: {  	s4 =	simm.s32 $_size__tile_overlayer_lowered;
	s5 =	simm.s32 $_tile_overlayer_lowered  }
0x9b: {  	s22 =	simm.s32 $0x1BFF;
	s21 =	sshll.u32 s5, $0x1;
	s2 =	sadd.s32 s19, s18  }
0x9c: {  	s6 =	simm.s32 $0x0;
	s20 =	sshll.u32 s4, $0x1;
	s4 =	sadd.s32 s21, s2  }
0x9d: {  	[timem:s6], [sflag:s22] =	dma.local [hbm:s4], s20  }
0x9e: {  	_ =	swait.ge [sflag:s22], s20  }
0x9f: {  	s3 =	ssub.s32 $0x0, s20;
	[sflag:s22] =	ssyncset.done $0x0  }
0xa0: {  	[sflag:s22] =	ssyncadd.s32 s3;
	_ =	sdelay $0x1  }
0xa1: {  	s23 =	simm.s32 $0x1B8B  }
0xa2: {  	_ =	swait.ge [sflag:s23], $0x1  }
0xa3: {  	[sflag:s23] =	ssyncset.done $0x0  }
0xa4: {  	s25 =	simm.s32 $0x1B8E;
	s24 =	sld [smem:$0x3FFE];
	[sflag:s23] =	ssyncadd.s32 $0xFFFFFFFF  }
0xa5: {  	s26 =	simm.s32 $execute0_lowered;
	[smem:$0x3FD2] =	sst s25  }
0xa6: {  	s4 =	sshll.u32 s26, $0x1;
	_ =	strace $0x80000049;
	[dreg:$0x1] =	wrdreg $0xFFFFFFFF  }
0xa7: {  	s28 =	simm.s32 $_size_execute0_lowered;
	s2 =	sadd.s32 s2, s4;
	[dreg:$0x0] =	wrdreg $0x0  }
0xa8: {  	s4 =	sshll.u32 s28, $0x1;
	[dreg:$0x2] =	wrdreg s2  }
0xa9: {  	[dreg:$0x3] =	wrdreg s4  }
0xaa: {  	[dreg:$0x4] =	wrdreg $0xC0  }
0xab: {  	_ =	task [dreg:s6], $0x5FFFF  }
0xac: {  	[dreg:$0x1] =	wrdreg $0xFFFFFFFF  }
0xad: {  	[dreg:$0x0] =	wrdreg $0x60  }
0xae: {  	[dreg:$0x2] =	wrdreg s24  }
0xaf: {  	[dreg:$0x3] =	wrdreg $0x0  }
0xb0: {  	[dreg:$0x4] =	wrdreg $0x50000  }
0xb1: {  	[dreg:$0x5] =	wrdreg $0x9  }
0xb2: {  	_ =	task.clear_ibuf [dreg:s6], $0x6FFFF;
	_ =	strace $0x90000049  }
0xb3: {  	s29 =	simm.s32 $0x9;
	_ =	strace $0x8000004B  }
0xb4: {  	_ =	swait.ge [sflag:s29], $0x1  }
0xb5: {  	[sflag:s29] =	ssyncadd.s32 $0xFFFFFFFF  }
0xb6: {  	_ =	strace $0x9000004B  }
0xb7: {  	_ =	sfence  }
0xb8: {  	s30 =	sld [smem:$0x0];
	_ =	sdelay $0x2  }
0xb9: {  	s31 =	sshll.u32 s1, $0xD;
	s1 =	sshrl.u32 s1, $0x2  }
0xba: {  	s3 =	sand.u32 $0x4000, s31;
	s1 =	sadd.s32 s1, s30  }
0xbb: {  	s0 =	sor.u32 s3, s0;
	s1 =	sshll.u32 s1, $0x11  }
0xbc: {  	s0 =	sor.u32 s1, s0  }
0xbd: {  	s0 =	sadd.s32 $0x8F2B, s0  }
0xbe: {  	[sflag:s0] =	ssyncadd.remote.s32 $0x1  }
0xbf: {  	_ =	sfence.sel $0xFFFF  }
0xc0: {  	[dreg:$0x0] =	wrdreg $0xFFFFFFFF;
	(pc) =	sbr.abs _section_cstart, $3  }
0xc1: {  	[dreg:$0x1] =	wrdreg $0xFFFFFFFF  }
0xc2: {  	_ =	task.clear_ibuf [dreg:s6], $0x2FFFF;
	_ =	strace $0x9FFFFFFF  }
0xc3: {  	(tm) =	ssettm $0x7FFFFFFF  }
tec
execute0_lowered:
.L_overlay_start_1:
0x0: {  	(tag) =	ssettag $0x1  }
0x1: {  	s0 =	srdreg.scid;
	s1 =	rddreg [dreg:$0x0]  }
0x2: {  	s12 =	stileid.u32;
	s2 =	rddreg [dreg:$0x1]  }
0x3: {  	s23 =	simm.s32 $0x0;
	s13 =	simm.s32 $0x9;
	s15 =	simm.s32 $0x9E20  }
0x4: {  	s16 =	simm.s32 $0xC530;
	s17 =	simm.s32 $0x50;
	s18 =	simm.s32 $0xEC40  }
0x5: {  	s20 =	simm.s32 $0xF640;
	s21 =	simm.s32 $0x1;
	s28 =	simm.s32 $0x10A40  }
0x6: {  	s29 =	simm.s32 $0x3;
	s30 =	simm.s32 $0x5;
	s31 =	simm.s32 $0x4  }
0x7: {  	s19 =	simm.s32 $0x8;
	s0 =	sand.u32 $0x1, s0;
	s7 =	smul.u32 $0x4E20, s12  }
0x8: {  	s6 =	smul.u32 $0x5000, s12;
	[smem:$0x7FF] =	sst s23;
	s25 =	sshll.u32 s12, $0x6  }
0x9: {  	s23 =	simm.s32 $0x10040;
	s3 =	sshll.u32 s0, $0x4;
	s9 =	smul.u32 $0x50000, s0  }
0xa: {  	s0 =	ssub.s32 $0x2, s0;
	s4 =	sor.u32 s12, s3;
	s3 =	rddreg [dreg:$0x2]  }
0xb: {  	s8 =	sshrl.u32 s7, $0x3;
	_ =	strace $0x8000004A;
	s24 =	sshrl.u32 s6, $0x3  }
0xc: {  	s11 =	sshrl.u32 s0, $0x1;
	s26 =	sadd.s32 s6, s2;
	s5 =	smul.u32 $0x4E2, s4  }
0xd: {  	s8 =	sadd.s32 s8, s1;
	s9 =	sadd.s32 s6, s9;
	s0 =	ssub.s32 s0, s11  }
0xe: {  	s6 =	sor.u32 $0x1C09, s25;
	s14 =	sadd.s32 s7, s3;
	s12 =	sshrl.u32 s26, $0x3  }
0xf: {  	s25 =	simm.s32 $0x0;
	s9 =	sshrl.u32 s9, $0x3;
	s7 =	sadd.s32 $0x95000, s8  }
0x10: {  	s11 =	smax.u32 s0, $0x1;
	s14 =	sshrl.u32 s14, $0x3;
	s0 =	simm.s32 $0x7  }
0x11: {  	s10 =	sadd.s32 s5, s1;
	s5 =	sadd.s32 s24, s1;
	s1 =	sadd.s32 s9, s1  }
0x12: {  	s24 =	simm.s32 $0x2;
	s5 =	sadd.s32 $0x9EE00, s5;
	s8 =	sadd.s32 $0x2A00, s10  }
0x13: {  	s9 =	sadd.s32 $0xC800, s10;
	s10 =	sadd.s32 $0xA8E00, s1;
	s1 =	simm.s32 $0x6  }
.LBB2_1:
0x14: {  	[spmem:s12], [sflag:s6] =	dma.local [hbm:s5], $0xA00  }
0x15: {  	_ =	swait.ge [sflag:s13], $0xA00  }
0x16: {  	[sflag:s13] =	ssyncset.done $0x0  }
0x17: {  	[sflag:s13] =	ssyncadd.s32 $0xFFFFF600  }
0x18: {  	[spmem:s14], [sflag:s6] =	dma.local [hbm:s7], $0x9C4  }
0x19: {  	_ =	swait.ge [sflag:s13], $0x9C4  }
0x1a: {  	[sflag:s13] =	ssyncset.done $0x0  }
0x1b: {  	s4 =	simm.s32 $0x0;
	[sflag:s13] =	ssyncadd.s32 $0xFFFFF63C  }
0x1c: {  	[tilespmem:s15], [sflag:$0x9] =	stream.linear.gather [hbm4b:s8+s4], $0x2710, $0x38;
	[tilespmem:$0x11440] =	vst v63  }
0x1d: {  	_ =	swait.ge [sflag:s13], $0x2710  }
0x1e: {  	[sflag:s13] =	ssyncset.done $0x0  }
0x1f: {  	[sflag:s13] =	ssyncadd.s32 $0xFFFFD8F0  }
0x20: {  	[tilespmem:s16], [sflag:$0x9] =	stream.linear.gather [hbm4b:s9+s4], $0x2710, $0x38;
	[tilespmem:$0x11440] =	vst v63  }
0x21: {  	_ =	swait.ge [sflag:s13], $0x2710  }
0x22: {  	[sflag:s13] =	ssyncset.done $0x0  }
0x23: {  	[sflag:s13] =	ssyncadd.s32 $0xFFFFD8F0  }
0x24: {  	[bflag:$0x0] =	sbarrier.arrive $0xFFFF  }
0x25: {  	[tilespmem:s18], [sflag:$0x1] =	stream.indirect.gather [spmem:s3], $0x20, s15, s17, $0xb8;
	[tilespmem:$0x11440] =	vst v63  }
0x26: {  	s22 =	simm.s32 $0x9E70  }
0x27: {  	[tilespmem:s20], [sflag:$0x2] =	stream.indirect.gather [spmem:s3], $0x20, s22, s17, $0xb8;
	[tilespmem:$0x11440] =	vst v63  }
0x28: {  	_ =	swait.ge [sflag:s21], $0xA00  }
0x29: {  	[sflag:s21] =	ssyncset.done $0x0  }
0x2a: {  	[sflag:s21] =	ssyncadd.s32 $0xFFFFF600  }
0x2b: {  	[spmem:s2] =	stream.indirect.scatter.add.f32 [tilespmem:s18], [sflag:$0x5], $0x20, s16, s17, $0xb8;
	[tilespmem:$0x11440] =	vst v63  }
0x2c: {  	s26 =	simm.s32 $0x9EC0  }
0x2d: {  	[tilespmem:s23], [sflag:$0x3] =	stream.indirect.gather [spmem:s3], $0x20, s26, s17, $0xb8;
	[tilespmem:$0x11440] =	vst v63  }
0x2e: {  	_ =	swait.ge [sflag:s24], $0xA00  }
0x2f: {  	[sflag:s24] =	ssyncset.done $0x0  }
0x30: {  	s22 =	simm.s32 $0xC580;
	[sflag:s24] =	ssyncadd.s32 $0xFFFFF600  }
0x31: {  	[spmem:s2] =	stream.indirect.scatter.add.f32 [tilespmem:s20], [sflag:$0x6], $0x20, s22, s17, $0xb8;
	[tilespmem:$0x11440] =	vst v63  }
0x32: {  	s26 =	simm.s32 $0x9F10  }
0x33: {  	[tilespmem:s28], [sflag:$0x4] =	stream.indirect.gather [spmem:s3], $0x20, s26, s17, $0xb8;
	[tilespmem:$0x11440] =	vst v63  }
0x34: {  	_ =	swait.ge [sflag:s29], $0xA00  }
0x35: {  	[sflag:s29] =	ssyncset.done $0x0  }
0x36: {  	s22 =	simm.s32 $0xC5D0;
	[sflag:s29] =	ssyncadd.s32 $0xFFFFF600  }
0x37: {  	[spmem:s2] =	stream.indirect.scatter.add.f32 [tilespmem:s23], [sflag:$0x7], $0x20, s22, s17, $0xb8;
	[tilespmem:$0x11440] =	vst v63  }
0x38: {  	_ =	swait.ge [sflag:s30], $0xA00  }
0x39: {  	[sflag:s30] =	ssyncset.done $0x0  }
0x3a: {  	s4 =	simm.s32 $0x9F60;
	[sflag:s30] =	ssyncadd.s32 $0xFFFFF600  }
0x3b: {  	[tilespmem:s18], [sflag:$0x1] =	stream.indirect.gather [spmem:s3], $0x20, s4, s17, $0xb8;
	[tilespmem:$0x11440] =	vst v63  }
0x3c: {  	_ =	swait.ge [sflag:s31], $0xA00  }
0x3d: {  	[sflag:s31] =	ssyncset.done $0x0  }
0x3e: {  	s26 =	simm.s32 $0xC620;
	[sflag:s31] =	ssyncadd.s32 $0xFFFFF600  }
0x3f: {  	[spmem:s2] =	stream.indirect.scatter.add.f32 [tilespmem:s28], [sflag:$0x8], $0x20, s26, s17, $0xb8;
	[tilespmem:$0x11440] =	vst v63  }
0x40: {  	_ =	swait.ge [sflag:s1], $0xA00  }
0x41: {  	[sflag:s1] =	ssyncset.done $0x0  }
0x42: {  	s4 =	simm.s32 $0x9FB0;
	[sflag:s1] =	ssyncadd.s32 $0xFFFFF600  }
0x43: {  	[tilespmem:s20], [sflag:$0x2] =	stream.indirect.gather [spmem:s3], $0x20, s4, s17, $0xb8;
	[tilespmem:$0x11440] =	vst v63  }
0x44: {  	_ =	swait.ge [sflag:s21], $0xA00  }
0x45: {  	[sflag:s21] =	ssyncset.done $0x0  }
0x46: {  	s26 =	simm.s32 $0xC670;
	[sflag:s21] =	ssyncadd.s32 $0xFFFFF600  }
0x47: {  	[spmem:s2] =	stream.indirect.scatter.add.f32 [tilespmem:s18], [sflag:$0x5], $0x20, s26, s17, $0xb8;
	[tilespmem:$0x11440] =	vst v63  }
0x48: {  	_ =	swait.ge [sflag:s0], $0xA00  }
0x49: {  	[sflag:s0] =	ssyncset.done $0x0  }
0x4a: {  	s4 =	simm.s32 $0xA000;
	[sflag:s0] =	ssyncadd.s32 $0xFFFFF600  }
0x4b: {  	[tilespmem:s23], [sflag:$0x3] =	stream.indirect.gather [spmem:s3], $0x20, s4, s17, $0xb8;
	[tilespmem:$0x11440] =	vst v63  }
0x4c: {  	_ =	swait.ge [sflag:s24], $0xA00  }
0x4d: {  	[sflag:s24] =	ssyncset.done $0x0  }
0x4e: {  	s26 =	simm.s32 $0xC6C0;
	[sflag:s24] =	ssyncadd.s32 $0xFFFFF600  }
0x4f: {  	[spmem:s2] =	stream.indirect.scatter.add.f32 [tilespmem:s20], [sflag:$0x6], $0x20, s26, s17, $0xb8;
	[tilespmem:$0x11440] =	vst v63  }
0x50: {  	_ =	swait.ge [sflag:s19], $0xA00  }
0x51: {  	[sflag:s19] =	ssyncset.done $0x0  }
0x52: {  	s22 =	simm.s32 $0xA050;
	s26 =	simm.s32 $0x500;
	[sflag:s19] =	ssyncadd.s32 $0xFFFFF600  }
.LBB2_2:
0x53: {  	[tilespmem:s28], [sflag:$0x4] =	stream.indirect.gather [spmem:s3], $0x20, s22, s17, $0xb8;
	[tilespmem:$0x11440] =	vst v63  }
0x54: {  	s22 =	smov.u32 s26  }
0x55: {  	p0 =	sne.s32 s26, $0x9100;
	s26 =	sadd.s32 $0x500, s26;
	_ =	swait.ge [sflag:s29], $0xA00  }
0x56: {  	s22 =	sshra.s32 s22, $0x2;
	[sflag:s29] =	ssyncset.done $0x0  }
0x57: {  	s4 =	sadd.s32 $0xC5D0, s22;
	[sflag:s29] =	ssyncadd.s32 $0xFFFFF600  }
0x58: {  	[spmem:s2] =	stream.indirect.scatter.add.f32 [tilespmem:s23], [sflag:$0x7], $0x20, s4, s17, $0xb8;
	[tilespmem:$0x11440] =	vst v63  }
0x59: {  	_ =	swait.ge [sflag:s30], $0xA00  }
0x5a: {  	[sflag:s30] =	ssyncset.done $0x0  }
0x5b: {  	s4 =	sadd.s32 $0x9F60, s22;
	[sflag:s30] =	ssyncadd.s32 $0xFFFFF600  }
0x5c: {  	[tilespmem:s18], [sflag:$0x1] =	stream.indirect.gather [spmem:s3], $0x20, s4, s17, $0xb8;
	[tilespmem:$0x11440] =	vst v63  }
0x5d: {  	_ =	swait.ge [sflag:s31], $0xA00  }
0x5e: {  	[sflag:s31] =	ssyncset.done $0x0  }
0x5f: {  	s4 =	sadd.s32 $0xC620, s22;
	[sflag:s31] =	ssyncadd.s32 $0xFFFFF600  }
0x60: {  	[spmem:s2] =	stream.indirect.scatter.add.f32 [tilespmem:s28], [sflag:$0x8], $0x20, s4, s17, $0xb8;
	[tilespmem:$0x11440] =	vst v63  }
0x61: {  	_ =	swait.ge [sflag:s1], $0xA00  }
0x62: {  	[sflag:s1] =	ssyncset.done $0x0  }
0x63: {  	s4 =	sadd.s32 $0x9FB0, s22;
	[sflag:s1] =	ssyncadd.s32 $0xFFFFF600  }
0x64: {  	[tilespmem:s20], [sflag:$0x2] =	stream.indirect.gather [spmem:s3], $0x20, s4, s17, $0xb8;
	[tilespmem:$0x11440] =	vst v63  }
0x65: {  	_ =	swait.ge [sflag:s21], $0xA00  }
0x66: {  	[sflag:s21] =	ssyncset.done $0x0  }
0x67: {  	s4 =	sadd.s32 $0xC670, s22;
	[sflag:s21] =	ssyncadd.s32 $0xFFFFF600  }
0x68: {  	[spmem:s2] =	stream.indirect.scatter.add.f32 [tilespmem:s18], [sflag:$0x5], $0x20, s4, s17, $0xb8;
	[tilespmem:$0x11440] =	vst v63  }
0x69: {  	_ =	swait.ge [sflag:s0], $0xA00  }
0x6a: {  	[sflag:s0] =	ssyncset.done $0x0  }
0x6b: {  	s4 =	sadd.s32 $0xA000, s22;
	[sflag:s0] =	ssyncadd.s32 $0xFFFFF600  }
0x6c: {  	[tilespmem:s23], [sflag:$0x3] =	stream.indirect.gather [spmem:s3], $0x20, s4, s17, $0xb8;
	[tilespmem:$0x11440] =	vst v63  }
0x6d: {  	_ =	swait.ge [sflag:s24], $0xA00  }
0x6e: {  	[sflag:s24] =	ssyncset.done $0x0  }
.Ltmp0:
0x6f: {  	s4 =	sadd.s32 $0xC6C0, s22;
	[sflag:s24] =	ssyncadd.s32 $0xFFFFF600;
	(pc) =	sbr.rel @p0 .LBB2_2-.Ltmp0, $4  }
0x70: {  	[spmem:s2] =	stream.indirect.scatter.add.f32 [tilespmem:s20], [sflag:$0x6], $0x20, s4, s17, $0xb8;
	[tilespmem:$0x11440] =	vst v63  }
0x71: {  	_ =	swait.ge [sflag:s19], $0xA00  }
0x72: {  	[sflag:s19] =	ssyncset.done $0x0  }
0x73: {  	s22 =	sadd.s32 $0xA050, s22;
	[sflag:s19] =	ssyncadd.s32 $0xFFFFF600  }
0x74: {  	[tilespmem:s28], [sflag:$0x4] =	stream.indirect.gather [spmem:s3], $0x20, s22, s17, $0xb8;
	[tilespmem:$0x11440] =	vst v63  }
0x75: {  	_ =	swait.ge [sflag:s29], $0xA00  }
0x76: {  	[sflag:s29] =	ssyncset.done $0x0  }
0x77: {  	s4 =	simm.s32 $0xEB50;
	[sflag:s29] =	ssyncadd.s32 $0xFFFFF600  }
0x78: {  	[spmem:s2] =	stream.indirect.scatter.add.f32 [tilespmem:s23], [sflag:$0x7], $0x20, s4, s17, $0xb8;
	[tilespmem:$0x11440] =	vst v63  }
0x79: {  	_ =	swait.ge [sflag:s30], $0xA00  }
0x7a: {  	[sflag:s30] =	ssyncset.done $0x0  }
0x7b: {  	s26 =	simm.s32 $0xC4E0;
	[sflag:s30] =	ssyncadd.s32 $0xFFFFF600  }
0x7c: {  	[tilespmem:s18], [sflag:$0x1] =	stream.indirect.gather [spmem:s3], $0x20, s26, s17, $0xb8;
	[tilespmem:$0x11440] =	vst v63  }
0x7d: {  	_ =	swait.ge [sflag:s31], $0xA00  }
0x7e: {  	[sflag:s31] =	ssyncset.done $0x0  }
0x7f: {  	s22 =	simm.s32 $0xEBA0;
	[sflag:s31] =	ssyncadd.s32 $0xFFFFF600  }
0x80: {  	[spmem:s2] =	stream.indirect.scatter.add.f32 [tilespmem:s28], [sflag:$0x8], $0x20, s22, s17, $0xb8;
	[tilespmem:$0x11440] =	vst v63  }
0x81: {  	_ =	swait.ge [sflag:s1], $0xA00  }
0x82: {  	[sflag:s1] =	ssyncset.done $0x0  }
0x83: {  	[sflag:s1] =	ssyncadd.s32 $0xFFFFF600  }
0x84: {  	_ =	swait.ge [sflag:s21], $0xA00  }
0x85: {  	[sflag:s21] =	ssyncset.done $0x0  }
0x86: {  	s26 =	simm.s32 $0xEBF0;
	[sflag:s21] =	ssyncadd.s32 $0xFFFFF600  }
0x87: {  	[spmem:s2] =	stream.indirect.scatter.add.f32 [tilespmem:s18], [sflag:$0x5], $0x20, s26, s17, $0xb8;
	[tilespmem:$0x11440] =	vst v63  }
0x88: {  	_ =	swait.ge [sflag:s0], $0xA00  }
0x89: {  	[sflag:s0] =	ssyncset.done $0x0  }
0x8a: {  	[sflag:s0] =	ssyncadd.s32 $0xFFFFF600  }
0x8b: {  	_ =	swait.ge [sflag:s19], $0xA00  }
0x8c: {  	[sflag:s19] =	ssyncset.done $0x0  }
0x8d: {  	[sflag:s19] =	ssyncadd.s32 $0xFFFFF600  }
0x8e: {  	_ =	swait.ge [sflag:s30], $0xA00  }
0x8f: {  	s25 =	sadd.s32 $0x1, s25;
	[sflag:s30] =	ssyncset.done $0x0  }
0x90: {  	p0 =	sne.s32 s25, s11;
	[sflag:s30] =	ssyncadd.s32 $0xFFFFF600  }
.Ltmp1:
0x91: {  	[bflag:$0x0] =	sbarrier.arrive $0xFFFF;
	(pc) =	sbr.rel @p0 .LBB2_1-.Ltmp1, $4  }
0x92: {  	[hbm:s10], [sflag:s6] =	dma.local [spmem:s12], $0xA00  }
0x93: {  	_ =	swait.ge [sflag:s13], $0xA00  }
0x94: {  	[sflag:s13] =	ssyncset.done $0x0  }
0x95: {  	[sflag:s13] =	ssyncadd.s32 $0xFFFFF600  }
0x96: {  	_ =	sfence.sel $0x180000  }
0x97: {  	[bflag:$0x0] =	sbarrier.arrive $0xFFFF  }
0x98: {  	_ =	strace $0x9000004A  }
0x99: {  	s0 =	stileid.u32;
	[bflag:$0x2] =	sbarrier.arrive $0xFFFF  }
0x9a: {  	p0 =	sne.s32 s0, $0x0;
	s0 =	rddreg [dreg:$0x3]  }
0x9b: {  	s0 =	sadd.s32 @!p0 $0x100000, s0  }
0x9c: {  	[sflag:s0] =	ssyncadd.tile.s32 @!p0 $0x1;
	_ =	shalt  }
.Lfunc_end2:
_tile_overlayer_lowered:
.L_overlay_start_2:
0x9d: {  	(tag) =	ssettag $0x2  }
0x9e: {  	s0 =	rddreg [dreg:$0x0];
	s2 =	stileid.u32  }
0x9f: {  	s1 =	rddreg [dreg:$0x1];
	p0 =	sne.s32 s2, $0x0  }
0xa0: {  	s3 =	rddreg [dreg:$0x2];
	[bflag:$0x3] =	sbarrier.arrive $0xFFFF;
	s2 =	simm.s32 @!p0 $0x1C09  }
0xa1: {  	[timem:s3], [sflag:s2] =	dma.local @!p0 [hbm:s0], s1  }
0xa2: {  	s0 =	simm.s32 @!p0 $0x9  }
0xa3: {  	_ =	swait.ge @!p0 [sflag:s0], s1  }
0xa4: {  	s1 =	ssub.s32 @!p0 $0x0, s1;
	[sflag:s0] =	ssyncset.done @!p0 $0x0  }
0xa5: {  	[sflag:s0] =	ssyncadd.s32 @!p0 s1  }
0xa6: {  	[bflag:$0x3] =	sbarrier.arrive $0xFFFF  }
0xa7: {  	_ =	shalt  }

// kernel: kernel.15.cloned.1.call-start
scs
__scs_entry_jumppad:
0x0: {  	(pc) =	sbr.rel $0x88, $3  }
0x1: {  	(tag) =	ssettag $0x0;
	lr =	simm.s32 $0x1  }
0x2: {  	[smem:$0x3F97] =	sst lr;
	_ =	strace $0xD0000000  }
0x3: {  	_ = 	snop  }
0x4: {  	_ = 	snop  }
0x5: {  	_ = 	snop  }
0x6: {  	_ = 	snop  }
0x7: {  	_ = 	snop  }
__scs_overlays_trampoline_lowered:
0x8: {  	[smem:$0x3FA6] =	sst s0  }
0x9: {  	[smem:$0x3FA7] =	sst s1  }
0xa: {  	[smem:$0x3FA8] =	sst s2  }
0xb: {  	[smem:$0x3FA9] =	sst s3  }
0xc: {  	[smem:$0x3FAA] =	sst s4  }
0xd: {  	[smem:$0x3FAB] =	sst s5  }
0xe: {  	[smem:$0x3FAC] =	sst s6  }
0xf: {  	[smem:$0x3FAD] =	sst s7  }
0x10: {  	[smem:$0x3FAE] =	sst s8  }
0x11: {  	[smem:$0x3FAF] =	sst s9;
	s0 =	simm.s32 @!p0 $0x0  }
0x12: {  	s1 =	sld [smem:$0x3F95];
	s0 =	simm.s32 @p0 $0x1  }
0x13: {  	[smem:$0x3FB0] =	sst s0;
	s0 =	simm.s32 @!p1 $0x0  }
0x14: {  	s2 =	sld [smem:$0x3F94];
	s0 =	simm.s32 @p1 $0x1  }
0x15: {  	[smem:$0x3FB1] =	sst s0;
	s0 =	simm.s32 @!p2 $0x0  }
0x16: {  	s3 =	sld [smem:$0x3FDB];
	s0 =	simm.s32 @p2 $0x1  }
0x17: {  	s4 =	simm.s32 $0x1BF5;
	[smem:$0x3FB3] =	sst s0  }
0x18: {  	s0 =	sld [smem:$0x3F96];
	_ =	swait.ge [sflag:s4], $0x0  }
0x19: {  	s7 =	sld [smem:$0x3F97]  }
0x1a: {  	s8 =	sadd.s32 $0xFFFFE003, lr  }
0x1b: {  	s9 =	sadd.s32 $0xFFFFFEF7, lr;
	s5 =	simm.s32 $0xFFFFFFFF;
	p2 =	slt.u32 s8, $0xFFFFF086  }
0x1c: {  	p1 =	slt.u32 s9, $0xF7A;
	s5 =	simm.s32 @!p2 $0x0  }
0x1d: {  	s5 =	simm.s32 @p1 $0x1;
	p0 =	seq.s32 s7, s2  }
0x1e: {  	s7 =	smul.u32 @!p0 $0xF7A, s2;
	p2 =	seq.s32 @!p0 s5, $0x0  }
0x1f: {  	s9 =	smul.u32 $0xF7A, s1;
	s8 =	simm.s32 @!p0 $0x1BF5;
	p2 =	por !p2, p0  }
0x20: {  	[sflag:s8] =	ssyncset.s32 @!p0 $0xFFFFF086;
	s6 =	sadd.s32 @!p0 s3, s7;
	s7 =	simm.s32 @!p0 $0x108  }
0x21: {  	s3 =	sadd.s32 s3, s9;
	s6 =	sadd.s32 @!p0 $0x88, s6;
	s7 =	simm.s32 @p2 $0x1082  }
0x22: {  	[simem:s7], [sflag:s8] =	dma.local @!p0 [hbm:s6], $0xF7A  }
0x23: {  	s9 =	sor.u32 $0xD0000000, s2;
	s6 =	simm.s32 $0x108;
	_ =	swait.ge @!p0 [sflag:s8], $0x0  }
0x24: {  	s3 =	sadd.s32 $0x88, s3;
	s6 =	simm.s32 @!p1 $0x1082;
	[sflag:s4] =	ssyncset.s32 $0xFFFFF086  }
0x25: {  	[simem:s6], [sflag:s4] =	dma.local [hbm:s3], $0xF7A  }
0x26: {  	[smem:$0x3F97] =	sst s1;
	(tag) =	ssettag s2;
	_ =	strace s9  }
0x27: {  	s1 =	sld [smem:$0x3FA7]  }
0x28: {  	s2 =	sld [smem:$0x3FA8]  }
0x29: {  	s4 =	sld [smem:$0x3FAA]  }
0x2a: {  	p0 =	seq.s32 s5, $0x0;
	s5 =	sld [smem:$0x3FAB]  }
0x2b: {  	s6 =	sld [smem:$0x3FAC]  }
0x2c: {  	s7 =	sld [smem:$0x3FAD]  }
0x2d: {  	s3 =	simm.s32 $0x108;
	s8 =	sld [smem:$0x3FAE]  }
0x2e: {  	s3 =	simm.s32 @!p0 $0x1082;
	s9 =	sld [smem:$0x3FAF]  }
0x2f: {  	lr =	sadd.s32 s0, s3;
	s0 =	sld [smem:$0x3FA6]  }
0x30: {  	s3 =	sld [smem:$0x3FA9]  }
0x31: {  	[smem:$0x3FB2] =	sst s10  }
0x32: {  	s10 =	sld [smem:$0x3FB0];
	_ =	sdelay $0x3  }
0x33: {  	p0 =	seq.s32 s10, $0x1;
	s10 =	sld [smem:$0x3FB2];
	_ =	sdelay $0x3  }
0x34: {  	[smem:$0x3FB2] =	sst s10  }
0x35: {  	s10 =	sld [smem:$0x3FB1];
	_ =	sdelay $0x3  }
0x36: {  	p1 =	seq.s32 s10, $0x1;
	s10 =	sld [smem:$0x3FB2];
	_ =	sdelay $0x3  }
0x37: {  	[smem:$0x3FB2] =	sst s10  }
0x38: {  	s10 =	sld [smem:$0x3FB3]  }
0x39: {  	_ = 	snop;
	(pc) =	sbr.ind lr, $3  }
0x3a: {  	_ = 	snop  }
0x3b: {  	_ = 	snop  }
0x3c: {  	p2 =	seq.s32 s10, $0x1;
	s10 =	sld [smem:$0x3FB2]  }
0x3d: {  	_ =	shalt  }
0x3e: {  	_ =	shalt  }
0x3f: {  	_ =	shalt  }
0x40: {  	_ =	shalt  }
0x41: {  	_ =	shalt  }
0x42: {  	_ =	shalt  }
0x43: {  	_ =	shalt  }
0x44: {  	_ =	shalt  }
0x45: {  	_ =	shalt  }
0x46: {  	_ =	shalt  }
0x47: {  	_ =	shalt  }
0x48: {  	_ =	shalt  }
0x49: {  	_ =	shalt  }
0x4a: {  	_ =	shalt  }
0x4b: {  	_ =	shalt  }
0x4c: {  	_ =	shalt  }
0x4d: {  	_ =	shalt  }
0x4e: {  	_ =	shalt  }
0x4f: {  	_ =	shalt  }
0x50: {  	_ =	shalt  }
0x51: {  	_ =	shalt  }
0x52: {  	_ =	shalt  }
0x53: {  	_ =	shalt  }
0x54: {  	_ =	shalt  }
0x55: {  	_ =	shalt  }
0x56: {  	_ =	shalt  }
0x57: {  	_ =	shalt  }
0x58: {  	_ =	shalt  }
0x59: {  	_ =	shalt  }
0x5a: {  	_ =	shalt  }
0x5b: {  	_ =	shalt  }
0x5c: {  	_ =	shalt  }
0x5d: {  	_ =	shalt  }
0x5e: {  	_ =	shalt  }
0x5f: {  	_ =	shalt  }
0x60: {  	_ =	shalt  }
0x61: {  	_ =	shalt  }
0x62: {  	_ =	shalt  }
0x63: {  	_ =	shalt  }
0x64: {  	_ =	shalt  }
0x65: {  	_ =	shalt  }
0x66: {  	_ =	shalt  }
0x67: {  	_ =	shalt  }
0x68: {  	_ =	shalt  }
0x69: {  	_ =	shalt  }
0x6a: {  	_ =	shalt  }
0x6b: {  	_ =	shalt  }
0x6c: {  	_ =	shalt  }
0x6d: {  	_ =	shalt  }
0x6e: {  	_ =	shalt  }
0x6f: {  	_ =	shalt  }
0x70: {  	_ =	shalt  }
0x71: {  	_ =	shalt  }
0x72: {  	_ =	shalt  }
0x73: {  	_ =	shalt  }
0x74: {  	_ =	shalt  }
0x75: {  	_ =	shalt  }
0x76: {  	_ =	shalt  }
0x77: {  	_ =	shalt  }
0x78: {  	_ =	shalt  }
0x79: {  	_ =	shalt  }
0x7a: {  	_ =	shalt  }
0x7b: {  	_ =	shalt  }
0x7c: {  	_ =	shalt  }
0x7d: {  	_ =	shalt  }
0x7e: {  	_ =	shalt  }
0x7f: {  	_ =	shalt  }
0x80: {  	_ =	shalt  }
0x81: {  	_ =	shalt  }
0x82: {  	_ =	shalt  }
0x83: {  	_ =	shalt  }
0x84: {  	_ =	shalt  }
0x85: {  	_ =	shalt  }
0x86: {  	_ =	shalt  }
0x87: {  	_ =	shalt  }
.Lfunc_end0:
.L_simem_size_0:
called_computation.2_lowered:
.L_overlay_start_0:
0x88: {  	s2 =	sld [smem:$0x3FD9]  }
0x89: {  	s3 =	sld [smem:$0x3FFE];
	_ =	sdelay $0x1  }
0x8a: {  	s1 =	srdreg.scid  }
0x8b: {  	s0 =	sand.u32 $0x1, s1  }
0x8c: {  	s16 =	sshll.u32 s0, $0xA;
	s2 =	sadd.s32 s3, s2  }
0x8d: {  	s2 =	sadd.s32 s2, s16  }
0x8e: {  	[smem:$0x3FBE] =	sst s2  }
0x8f: {  	_ = 	snop  }
0x90: {  	(tm) =	ssettm $0x1  }
0x91: {  	s17 =	sld [smem:$0x3FFB];
	_ =	sdelay $0x3  }
0x92: {  	_ =	strace s17  }
0x93: {  	s2 =	sld [smem:$0x3FFC];
	_ =	sdelay $0x3  }
0x94: {  	_ =	strace s2  }
0x95: {  	s2 =	sld [smem:$0x3FFD];
	_ =	sdelay $0x3  }
0x96: {  	_ =	strace s2  }
0x97: {  	_ =	strace $0x8FFFFFFF  }
0x98: {  	s18 =	sld [smem:$0x3FDB];
	_ =	sdelay $0x1  }
0x99: {  	s19 =	simm.s32 $_scs_section_size  }
0x9a: {  	s4 =	simm.s32 $_size__tile_overlayer_lowered;
	s5 =	simm.s32 $_tile_overlayer_lowered  }
0x9b: {  	s22 =	simm.s32 $0x1BFF;
	s21 =	sshll.u32 s5, $0x1;
	s2 =	sadd.s32 s19, s18  }
0x9c: {  	s6 =	simm.s32 $0x0;
	s20 =	sshll.u32 s4, $0x1;
	s4 =	sadd.s32 s21, s2  }
0x9d: {  	[timem:s6], [sflag:s22] =	dma.local [hbm:s4], s20  }
0x9e: {  	_ =	swait.ge [sflag:s22], s20  }
0x9f: {  	s3 =	ssub.s32 $0x0, s20;
	[sflag:s22] =	ssyncset.done $0x0  }
0xa0: {  	[sflag:s22] =	ssyncadd.s32 s3;
	_ =	sdelay $0x1  }
0xa1: {  	s23 =	simm.s32 $0x1B8B  }
0xa2: {  	_ =	swait.ge [sflag:s23], $0x1  }
0xa3: {  	[sflag:s23] =	ssyncset.done $0x0  }
0xa4: {  	s25 =	simm.s32 $0x1B8E;
	s24 =	sld [smem:$0x3FFE];
	[sflag:s23] =	ssyncadd.s32 $0xFFFFFFFF  }
0xa5: {  	s26 =	simm.s32 $execute0_lowered;
	[smem:$0x3FD2] =	sst s25  }
0xa6: {  	s4 =	sshll.u32 s26, $0x1;
	_ =	strace $0x8000004C;
	[dreg:$0x1] =	wrdreg $0xFFFFFFFF  }
0xa7: {  	s28 =	simm.s32 $_size_execute0_lowered;
	s2 =	sadd.s32 s2, s4;
	[dreg:$0x0] =	wrdreg $0x0  }
0xa8: {  	s4 =	sshll.u32 s28, $0x1;
	[dreg:$0x2] =	wrdreg s2  }
0xa9: {  	[dreg:$0x3] =	wrdreg s4  }
0xaa: {  	[dreg:$0x4] =	wrdreg $0xC0  }
0xab: {  	_ =	task [dreg:s6], $0x5FFFF  }
0xac: {  	[dreg:$0x1] =	wrdreg $0xFFFFFFFF  }
0xad: {  	[dreg:$0x0] =	wrdreg $0x60  }
0xae: {  	[dreg:$0x2] =	wrdreg s24  }
0xaf: {  	[dreg:$0x3] =	wrdreg $0x0  }
0xb0: {  	[dreg:$0x4] =	wrdreg $0x50000  }
0xb1: {  	[dreg:$0x5] =	wrdreg $0x9  }
0xb2: {  	_ =	task.clear_ibuf [dreg:s6], $0x6FFFF;
	_ =	strace $0x9000004C  }
0xb3: {  	s29 =	simm.s32 $0x9;
	_ =	strace $0x8000004E  }
0xb4: {  	_ =	swait.ge [sflag:s29], $0x1  }
0xb5: {  	[sflag:s29] =	ssyncadd.s32 $0xFFFFFFFF  }
0xb6: {  	_ =	strace $0x9000004E  }
0xb7: {  	_ =	sfence  }
0xb8: {  	s30 =	sld [smem:$0x0];
	_ =	sdelay $0x2  }
0xb9: {  	s31 =	sshll.u32 s1, $0xD;
	s1 =	sshrl.u32 s1, $0x2  }
0xba: {  	s3 =	sand.u32 $0x4000, s31;
	s1 =	sadd.s32 s1, s30  }
0xbb: {  	s0 =	sor.u32 s3, s0;
	s1 =	sshll.u32 s1, $0x11  }
0xbc: {  	s0 =	sor.u32 s1, s0  }
0xbd: {  	s0 =	sadd.s32 $0x8F2B, s0  }
0xbe: {  	[sflag:s0] =	ssyncadd.remote.s32 $0x1  }
0xbf: {  	_ =	sfence.sel $0xFFFF  }
0xc0: {  	[dreg:$0x0] =	wrdreg $0xFFFFFFFF;
	(pc) =	sbr.abs _section_cstart, $3  }
0xc1: {  	[dreg:$0x1] =	wrdreg $0xFFFFFFFF  }
0xc2: {  	_ =	task.clear_ibuf [dreg:s6], $0x2FFFF;
	_ =	strace $0x9FFFFFFF  }
0xc3: {  	(tm) =	ssettm $0x7FFFFFFF  }
tec
execute0_lowered:
.L_overlay_start_1:
0x0: {  	(tag) =	ssettag $0x1  }
0x1: {  	s0 =	srdreg.scid;
	s1 =	rddreg [dreg:$0x0]  }
0x2: {  	s12 =	stileid.u32;
	s2 =	rddreg [dreg:$0x1]  }
0x3: {  	s23 =	simm.s32 $0x0;
	s13 =	simm.s32 $0x9;
	s15 =	simm.s32 $0x9E20  }
0x4: {  	s16 =	simm.s32 $0xC530;
	s17 =	simm.s32 $0x50;
	s18 =	simm.s32 $0xEC40  }
0x5: {  	s20 =	simm.s32 $0xF640;
	s21 =	simm.s32 $0x1;
	s28 =	simm.s32 $0x10A40  }
0x6: {  	s29 =	simm.s32 $0x3;
	s30 =	simm.s32 $0x5;
	s31 =	simm.s32 $0x4  }
0x7: {  	s19 =	simm.s32 $0x8;
	s0 =	sand.u32 $0x1, s0;
	s7 =	smul.u32 $0x4E20, s12  }
0x8: {  	s6 =	smul.u32 $0x5000, s12;
	[smem:$0x7FF] =	sst s23;
	s25 =	sshll.u32 s12, $0x6  }
0x9: {  	s23 =	simm.s32 $0x10040;
	s3 =	sshll.u32 s0, $0x4;
	s9 =	smul.u32 $0x50000, s0  }
0xa: {  	s0 =	ssub.s32 $0x2, s0;
	s4 =	sor.u32 s12, s3;
	s3 =	rddreg [dreg:$0x2]  }
0xb: {  	s8 =	sshrl.u32 s7, $0x3;
	_ =	strace $0x8000004D;
	s24 =	sshrl.u32 s6, $0x3  }
0xc: {  	s11 =	sshrl.u32 s0, $0x1;
	s26 =	sadd.s32 s6, s2;
	s5 =	smul.u32 $0x4E2, s4  }
0xd: {  	s8 =	sadd.s32 s8, s1;
	s9 =	sadd.s32 s6, s9;
	s0 =	ssub.s32 s0, s11  }
0xe: {  	s6 =	sor.u32 $0x1C09, s25;
	s14 =	sadd.s32 s7, s3;
	s12 =	sshrl.u32 s26, $0x3  }
0xf: {  	s25 =	simm.s32 $0x0;
	s9 =	sshrl.u32 s9, $0x3;
	s7 =	sadd.s32 $0x95000, s8  }
0x10: {  	s11 =	smax.u32 s0, $0x1;
	s14 =	sshrl.u32 s14, $0x3;
	s0 =	simm.s32 $0x7  }
0x11: {  	s10 =	sadd.s32 s5, s1;
	s5 =	sadd.s32 s24, s1;
	s1 =	sadd.s32 s9, s1  }
0x12: {  	s24 =	simm.s32 $0x2;
	s5 =	sadd.s32 $0x9EE00, s5;
	s8 =	sadd.s32 $0x2A00, s10  }
0x13: {  	s9 =	sadd.s32 $0xC800, s10;
	s10 =	sadd.s32 $0x16600, s1;
	s1 =	simm.s32 $0x6  }
.LBB2_1:
0x14: {  	[spmem:s12], [sflag:s6] =	dma.local [hbm:s5], $0xA00  }
0x15: {  	_ =	swait.ge [sflag:s13], $0xA00  }
0x16: {  	[sflag:s13] =	ssyncset.done $0x0  }
0x17: {  	[sflag:s13] =	ssyncadd.s32 $0xFFFFF600  }
0x18: {  	[spmem:s14], [sflag:s6] =	dma.local [hbm:s7], $0x9C4  }
0x19: {  	_ =	swait.ge [sflag:s13], $0x9C4  }
0x1a: {  	[sflag:s13] =	ssyncset.done $0x0  }
0x1b: {  	s4 =	simm.s32 $0x0;
	[sflag:s13] =	ssyncadd.s32 $0xFFFFF63C  }
0x1c: {  	[tilespmem:s15], [sflag:$0x9] =	stream.linear.gather [hbm4b:s8+s4], $0x2710, $0x38;
	[tilespmem:$0x11440] =	vst v63  }
0x1d: {  	_ =	swait.ge [sflag:s13], $0x2710  }
0x1e: {  	[sflag:s13] =	ssyncset.done $0x0  }
0x1f: {  	[sflag:s13] =	ssyncadd.s32 $0xFFFFD8F0  }
0x20: {  	[tilespmem:s16], [sflag:$0x9] =	stream.linear.gather [hbm4b:s9+s4], $0x2710, $0x38;
	[tilespmem:$0x11440] =	vst v63  }
0x21: {  	_ =	swait.ge [sflag:s13], $0x2710  }
0x22: {  	[sflag:s13] =	ssyncset.done $0x0  }
0x23: {  	[sflag:s13] =	ssyncadd.s32 $0xFFFFD8F0  }
0x24: {  	[bflag:$0x0] =	sbarrier.arrive $0xFFFF  }
0x25: {  	[tilespmem:s18], [sflag:$0x1] =	stream.indirect.gather [spmem:s3], $0x20, s15, s17, $0xb8;
	[tilespmem:$0x11440] =	vst v63  }
0x26: {  	s22 =	simm.s32 $0x9E70  }
0x27: {  	[tilespmem:s20], [sflag:$0x2] =	stream.indirect.gather [spmem:s3], $0x20, s22, s17, $0xb8;
	[tilespmem:$0x11440] =	vst v63  }
0x28: {  	_ =	swait.ge [sflag:s21], $0xA00  }
0x29: {  	[sflag:s21] =	ssyncset.done $0x0  }
0x2a: {  	[sflag:s21] =	ssyncadd.s32 $0xFFFFF600  }
0x2b: {  	[spmem:s2] =	stream.indirect.scatter.add.f32 [tilespmem:s18], [sflag:$0x5], $0x20, s16, s17, $0xb8;
	[tilespmem:$0x11440] =	vst v63  }
0x2c: {  	s26 =	simm.s32 $0x9EC0  }
0x2d: {  	[tilespmem:s23], [sflag:$0x3] =	stream.indirect.gather [spmem:s3], $0x20, s26, s17, $0xb8;
	[tilespmem:$0x11440] =	vst v63  }
0x2e: {  	_ =	swait.ge [sflag:s24], $0xA00  }
0x2f: {  	[sflag:s24] =	ssyncset.done $0x0  }
0x30: {  	s22 =	simm.s32 $0xC580;
	[sflag:s24] =	ssyncadd.s32 $0xFFFFF600  }
0x31: {  	[spmem:s2] =	stream.indirect.scatter.add.f32 [tilespmem:s20], [sflag:$0x6], $0x20, s22, s17, $0xb8;
	[tilespmem:$0x11440] =	vst v63  }
0x32: {  	s26 =	simm.s32 $0x9F10  }
0x33: {  	[tilespmem:s28], [sflag:$0x4] =	stream.indirect.gather [spmem:s3], $0x20, s26, s17, $0xb8;
	[tilespmem:$0x11440] =	vst v63  }
0x34: {  	_ =	swait.ge [sflag:s29], $0xA00  }
0x35: {  	[sflag:s29] =	ssyncset.done $0x0  }
0x36: {  	s22 =	simm.s32 $0xC5D0;
	[sflag:s29] =	ssyncadd.s32 $0xFFFFF600  }
0x37: {  	[spmem:s2] =	stream.indirect.scatter.add.f32 [tilespmem:s23], [sflag:$0x7], $0x20, s22, s17, $0xb8;
	[tilespmem:$0x11440] =	vst v63  }
0x38: {  	_ =	swait.ge [sflag:s30], $0xA00  }
0x39: {  	[sflag:s30] =	ssyncset.done $0x0  }
0x3a: {  	s4 =	simm.s32 $0x9F60;
	[sflag:s30] =	ssyncadd.s32 $0xFFFFF600  }
0x3b: {  	[tilespmem:s18], [sflag:$0x1] =	stream.indirect.gather [spmem:s3], $0x20, s4, s17, $0xb8;
	[tilespmem:$0x11440] =	vst v63  }
0x3c: {  	_ =	swait.ge [sflag:s31], $0xA00  }
0x3d: {  	[sflag:s31] =	ssyncset.done $0x0  }
0x3e: {  	s26 =	simm.s32 $0xC620;
	[sflag:s31] =	ssyncadd.s32 $0xFFFFF600  }
0x3f: {  	[spmem:s2] =	stream.indirect.scatter.add.f32 [tilespmem:s28], [sflag:$0x8], $0x20, s26, s17, $0xb8;
	[tilespmem:$0x11440] =	vst v63  }
0x40: {  	_ =	swait.ge [sflag:s1], $0xA00  }
0x41: {  	[sflag:s1] =	ssyncset.done $0x0  }
0x42: {  	s4 =	simm.s32 $0x9FB0;
	[sflag:s1] =	ssyncadd.s32 $0xFFFFF600  }
0x43: {  	[tilespmem:s20], [sflag:$0x2] =	stream.indirect.gather [spmem:s3], $0x20, s4, s17, $0xb8;
	[tilespmem:$0x11440] =	vst v63  }
0x44: {  	_ =	swait.ge [sflag:s21], $0xA00  }
0x45: {  	[sflag:s21] =	ssyncset.done $0x0  }
0x46: {  	s26 =	simm.s32 $0xC670;
	[sflag:s21] =	ssyncadd.s32 $0xFFFFF600  }
0x47: {  	[spmem:s2] =	stream.indirect.scatter.add.f32 [tilespmem:s18], [sflag:$0x5], $0x20, s26, s17, $0xb8;
	[tilespmem:$0x11440] =	vst v63  }
0x48: {  	_ =	swait.ge [sflag:s0], $0xA00  }
0x49: {  	[sflag:s0] =	ssyncset.done $0x0  }
0x4a: {  	s4 =	simm.s32 $0xA000;
	[sflag:s0] =	ssyncadd.s32 $0xFFFFF600  }
0x4b: {  	[tilespmem:s23], [sflag:$0x3] =	stream.indirect.gather [spmem:s3], $0x20, s4, s17, $0xb8;
	[tilespmem:$0x11440] =	vst v63  }
0x4c: {  	_ =	swait.ge [sflag:s24], $0xA00  }
0x4d: {  	[sflag:s24] =	ssyncset.done $0x0  }
0x4e: {  	s26 =	simm.s32 $0xC6C0;
	[sflag:s24] =	ssyncadd.s32 $0xFFFFF600  }
0x4f: {  	[spmem:s2] =	stream.indirect.scatter.add.f32 [tilespmem:s20], [sflag:$0x6], $0x20, s26, s17, $0xb8;
	[tilespmem:$0x11440] =	vst v63  }
0x50: {  	_ =	swait.ge [sflag:s19], $0xA00  }
0x51: {  	[sflag:s19] =	ssyncset.done $0x0  }
0x52: {  	s22 =	simm.s32 $0xA050;
	s26 =	simm.s32 $0x500;
	[sflag:s19] =	ssyncadd.s32 $0xFFFFF600  }
.LBB2_2:
0x53: {  	[tilespmem:s28], [sflag:$0x4] =	stream.indirect.gather [spmem:s3], $0x20, s22, s17, $0xb8;
	[tilespmem:$0x11440] =	vst v63  }
0x54: {  	s22 =	smov.u32 s26  }
0x55: {  	p0 =	sne.s32 s26, $0x9100;
	s26 =	sadd.s32 $0x500, s26;
	_ =	swait.ge [sflag:s29], $0xA00  }
0x56: {  	s22 =	sshra.s32 s22, $0x2;
	[sflag:s29] =	ssyncset.done $0x0  }
0x57: {  	s4 =	sadd.s32 $0xC5D0, s22;
	[sflag:s29] =	ssyncadd.s32 $0xFFFFF600  }
0x58: {  	[spmem:s2] =	stream.indirect.scatter.add.f32 [tilespmem:s23], [sflag:$0x7], $0x20, s4, s17, $0xb8;
	[tilespmem:$0x11440] =	vst v63  }
0x59: {  	_ =	swait.ge [sflag:s30], $0xA00  }
0x5a: {  	[sflag:s30] =	ssyncset.done $0x0  }
0x5b: {  	s4 =	sadd.s32 $0x9F60, s22;
	[sflag:s30] =	ssyncadd.s32 $0xFFFFF600  }
0x5c: {  	[tilespmem:s18], [sflag:$0x1] =	stream.indirect.gather [spmem:s3], $0x20, s4, s17, $0xb8;
	[tilespmem:$0x11440] =	vst v63  }
0x5d: {  	_ =	swait.ge [sflag:s31], $0xA00  }
0x5e: {  	[sflag:s31] =	ssyncset.done $0x0  }
0x5f: {  	s4 =	sadd.s32 $0xC620, s22;
	[sflag:s31] =	ssyncadd.s32 $0xFFFFF600  }
0x60: {  	[spmem:s2] =	stream.indirect.scatter.add.f32 [tilespmem:s28], [sflag:$0x8], $0x20, s4, s17, $0xb8;
	[tilespmem:$0x11440] =	vst v63  }
0x61: {  	_ =	swait.ge [sflag:s1], $0xA00  }
0x62: {  	[sflag:s1] =	ssyncset.done $0x0  }
0x63: {  	s4 =	sadd.s32 $0x9FB0, s22;
	[sflag:s1] =	ssyncadd.s32 $0xFFFFF600  }
0x64: {  	[tilespmem:s20], [sflag:$0x2] =	stream.indirect.gather [spmem:s3], $0x20, s4, s17, $0xb8;
	[tilespmem:$0x11440] =	vst v63  }
0x65: {  	_ =	swait.ge [sflag:s21], $0xA00  }
0x66: {  	[sflag:s21] =	ssyncset.done $0x0  }
0x67: {  	s4 =	sadd.s32 $0xC670, s22;
	[sflag:s21] =	ssyncadd.s32 $0xFFFFF600  }
0x68: {  	[spmem:s2] =	stream.indirect.scatter.add.f32 [tilespmem:s18], [sflag:$0x5], $0x20, s4, s17, $0xb8;
	[tilespmem:$0x11440] =	vst v63  }
0x69: {  	_ =	swait.ge [sflag:s0], $0xA00  }
0x6a: {  	[sflag:s0] =	ssyncset.done $0x0  }
0x6b: {  	s4 =	sadd.s32 $0xA000, s22;
	[sflag:s0] =	ssyncadd.s32 $0xFFFFF600  }
0x6c: {  	[tilespmem:s23], [sflag:$0x3] =	stream.indirect.gather [spmem:s3], $0x20, s4, s17, $0xb8;
	[tilespmem:$0x11440] =	vst v63  }
0x6d: {  	_ =	swait.ge [sflag:s24], $0xA00  }
0x6e: {  	[sflag:s24] =	ssyncset.done $0x0  }
.Ltmp0:
0x6f: {  	s4 =	sadd.s32 $0xC6C0, s22;
	[sflag:s24] =	ssyncadd.s32 $0xFFFFF600;
	(pc) =	sbr.rel @p0 .LBB2_2-.Ltmp0, $4  }
0x70: {  	[spmem:s2] =	stream.indirect.scatter.add.f32 [tilespmem:s20], [sflag:$0x6], $0x20, s4, s17, $0xb8;
	[tilespmem:$0x11440] =	vst v63  }
0x71: {  	_ =	swait.ge [sflag:s19], $0xA00  }
0x72: {  	[sflag:s19] =	ssyncset.done $0x0  }
0x73: {  	s22 =	sadd.s32 $0xA050, s22;
	[sflag:s19] =	ssyncadd.s32 $0xFFFFF600  }
0x74: {  	[tilespmem:s28], [sflag:$0x4] =	stream.indirect.gather [spmem:s3], $0x20, s22, s17, $0xb8;
	[tilespmem:$0x11440] =	vst v63  }
0x75: {  	_ =	swait.ge [sflag:s29], $0xA00  }
0x76: {  	[sflag:s29] =	ssyncset.done $0x0  }
0x77: {  	s4 =	simm.s32 $0xEB50;
	[sflag:s29] =	ssyncadd.s32 $0xFFFFF600  }
0x78: {  	[spmem:s2] =	stream.indirect.scatter.add.f32 [tilespmem:s23], [sflag:$0x7], $0x20, s4, s17, $0xb8;
	[tilespmem:$0x11440] =	vst v63  }
0x79: {  	_ =	swait.ge [sflag:s30], $0xA00  }
0x7a: {  	[sflag:s30] =	ssyncset.done $0x0  }
0x7b: {  	s26 =	simm.s32 $0xC4E0;
	[sflag:s30] =	ssyncadd.s32 $0xFFFFF600  }
0x7c: {  	[tilespmem:s18], [sflag:$0x1] =	stream.indirect.gather [spmem:s3], $0x20, s26, s17, $0xb8;
	[tilespmem:$0x11440] =	vst v63  }
0x7d: {  	_ =	swait.ge [sflag:s31], $0xA00  }
0x7e: {  	[sflag:s31] =	ssyncset.done $0x0  }
0x7f: {  	s22 =	simm.s32 $0xEBA0;
	[sflag:s31] =	ssyncadd.s32 $0xFFFFF600  }
0x80: {  	[spmem:s2] =	stream.indirect.scatter.add.f32 [tilespmem:s28], [sflag:$0x8], $0x20, s22, s17, $0xb8;
	[tilespmem:$0x11440] =	vst v63  }
0x81: {  	_ =	swait.ge [sflag:s1], $0xA00  }
0x82: {  	[sflag:s1] =	ssyncset.done $0x0  }
0x83: {  	[sflag:s1] =	ssyncadd.s32 $0xFFFFF600  }
0x84: {  	_ =	swait.ge [sflag:s21], $0xA00  }
0x85: {  	[sflag:s21] =	ssyncset.done $0x0  }
0x86: {  	s26 =	simm.s32 $0xEBF0;
	[sflag:s21] =	ssyncadd.s32 $0xFFFFF600  }
0x87: {  	[spmem:s2] =	stream.indirect.scatter.add.f32 [tilespmem:s18], [sflag:$0x5], $0x20, s26, s17, $0xb8;
	[tilespmem:$0x11440] =	vst v63  }
0x88: {  	_ =	swait.ge [sflag:s0], $0xA00  }
0x89: {  	[sflag:s0] =	ssyncset.done $0x0  }
0x8a: {  	[sflag:s0] =	ssyncadd.s32 $0xFFFFF600  }
0x8b: {  	_ =	swait.ge [sflag:s19], $0xA00  }
0x8c: {  	[sflag:s19] =	ssyncset.done $0x0  }
0x8d: {  	[sflag:s19] =	ssyncadd.s32 $0xFFFFF600  }
0x8e: {  	_ =	swait.ge [sflag:s30], $0xA00  }
0x8f: {  	s25 =	sadd.s32 $0x1, s25;
	[sflag:s30] =	ssyncset.done $0x0  }
0x90: {  	p0 =	sne.s32 s25, s11;
	[sflag:s30] =	ssyncadd.s32 $0xFFFFF600  }
.Ltmp1:
0x91: {  	[bflag:$0x0] =	sbarrier.arrive $0xFFFF;
	(pc) =	sbr.rel @p0 .LBB2_1-.Ltmp1, $4  }
0x92: {  	[hbm:s10], [sflag:s6] =	dma.local [spmem:s12], $0xA00  }
0x93: {  	_ =	swait.ge [sflag:s13], $0xA00  }
0x94: {  	[sflag:s13] =	ssyncset.done $0x0  }
0x95: {  	[sflag:s13] =	ssyncadd.s32 $0xFFFFF600  }
0x96: {  	_ =	sfence.sel $0x180000  }
0x97: {  	[bflag:$0x0] =	sbarrier.arrive $0xFFFF  }
0x98: {  	_ =	strace $0x9000004D  }
0x99: {  	s0 =	stileid.u32;
	[bflag:$0x2] =	sbarrier.arrive $0xFFFF  }
0x9a: {  	p0 =	sne.s32 s0, $0x0;
	s0 =	rddreg [dreg:$0x3]  }
0x9b: {  	s0 =	sadd.s32 @!p0 $0x100000, s0  }
0x9c: {  	[sflag:s0] =	ssyncadd.tile.s32 @!p0 $0x1;
	_ =	shalt  }
.Lfunc_end2:
_tile_overlayer_lowered:
.L_overlay_start_2:
0x9d: {  	(tag) =	ssettag $0x2  }
0x9e: {  	s0 =	rddreg [dreg:$0x0];
	s2 =	stileid.u32  }
0x9f: {  	s1 =	rddreg [dreg:$0x1];
	p0 =	sne.s32 s2, $0x0  }
0xa0: {  	s3 =	rddreg [dreg:$0x2];
	[bflag:$0x3] =	sbarrier.arrive $0xFFFF;
	s2 =	simm.s32 @!p0 $0x1C09  }
0xa1: {  	[timem:s3], [sflag:s2] =	dma.local @!p0 [hbm:s0], s1  }
0xa2: {  	s0 =	simm.s32 @!p0 $0x9  }
0xa3: {  	_ =	swait.ge @!p0 [sflag:s0], s1  }
0xa4: {  	s1 =	ssub.s32 @!p0 $0x0, s1;
	[sflag:s0] =	ssyncset.done @!p0 $0x0  }
0xa5: {  	[sflag:s0] =	ssyncadd.s32 @!p0 s1  }
0xa6: {  	[bflag:$0x3] =	sbarrier.arrive $0xFFFF  }
0xa7: {  	_ =	shalt  }

// kernel: kernel.9.cloned.1.call-start
scs
__scs_entry_jumppad:
0x0: {  	(pc) =	sbr.rel $0x88, $3  }
0x1: {  	(tag) =	ssettag $0x0;
	lr =	simm.s32 $0x1  }
0x2: {  	[smem:$0x3F97] =	sst lr;
	_ =	strace $0xD0000000  }
0x3: {  	_ = 	snop  }
0x4: {  	_ = 	snop  }
0x5: {  	_ = 	snop  }
0x6: {  	_ = 	snop  }
0x7: {  	_ = 	snop  }
__scs_overlays_trampoline_lowered:
0x8: {  	[smem:$0x3FA6] =	sst s0  }
0x9: {  	[smem:$0x3FA7] =	sst s1  }
0xa: {  	[smem:$0x3FA8] =	sst s2  }
0xb: {  	[smem:$0x3FA9] =	sst s3  }
0xc: {  	[smem:$0x3FAA] =	sst s4  }
0xd: {  	[smem:$0x3FAB] =	sst s5  }
0xe: {  	[smem:$0x3FAC] =	sst s6  }
0xf: {  	[smem:$0x3FAD] =	sst s7  }
0x10: {  	[smem:$0x3FAE] =	sst s8  }
0x11: {  	[smem:$0x3FAF] =	sst s9;
	s0 =	simm.s32 @!p0 $0x0  }
0x12: {  	s1 =	sld [smem:$0x3F95];
	s0 =	simm.s32 @p0 $0x1  }
0x13: {  	[smem:$0x3FB0] =	sst s0;
	s0 =	simm.s32 @!p1 $0x0  }
0x14: {  	s2 =	sld [smem:$0x3F94];
	s0 =	simm.s32 @p1 $0x1  }
0x15: {  	[smem:$0x3FB1] =	sst s0;
	s0 =	simm.s32 @!p2 $0x0  }
0x16: {  	s3 =	sld [smem:$0x3FDB];
	s0 =	simm.s32 @p2 $0x1  }
0x17: {  	s4 =	simm.s32 $0x1BF5;
	[smem:$0x3FB3] =	sst s0  }
0x18: {  	s0 =	sld [smem:$0x3F96];
	_ =	swait.ge [sflag:s4], $0x0  }
0x19: {  	s7 =	sld [smem:$0x3F97]  }
0x1a: {  	s8 =	sadd.s32 $0xFFFFE003, lr  }
0x1b: {  	s9 =	sadd.s32 $0xFFFFFEF7, lr;
	s5 =	simm.s32 $0xFFFFFFFF;
	p2 =	slt.u32 s8, $0xFFFFF086  }
0x1c: {  	p1 =	slt.u32 s9, $0xF7A;
	s5 =	simm.s32 @!p2 $0x0  }
0x1d: {  	s5 =	simm.s32 @p1 $0x1;
	p0 =	seq.s32 s7, s2  }
0x1e: {  	s7 =	smul.u32 @!p0 $0xF7A, s2;
	p2 =	seq.s32 @!p0 s5, $0x0  }
0x1f: {  	s9 =	smul.u32 $0xF7A, s1;
	s8 =	simm.s32 @!p0 $0x1BF5;
	p2 =	por !p2, p0  }
0x20: {  	[sflag:s8] =	ssyncset.s32 @!p0 $0xFFFFF086;
	s6 =	sadd.s32 @!p0 s3, s7;
	s7 =	simm.s32 @!p0 $0x108  }
0x21: {  	s3 =	sadd.s32 s3, s9;
	s6 =	sadd.s32 @!p0 $0x88, s6;
	s7 =	simm.s32 @p2 $0x1082  }
0x22: {  	[simem:s7], [sflag:s8] =	dma.local @!p0 [hbm:s6], $0xF7A  }
0x23: {  	s9 =	sor.u32 $0xD0000000, s2;
	s6 =	simm.s32 $0x108;
	_ =	swait.ge @!p0 [sflag:s8], $0x0  }
0x24: {  	s3 =	sadd.s32 $0x88, s3;
	s6 =	simm.s32 @!p1 $0x1082;
	[sflag:s4] =	ssyncset.s32 $0xFFFFF086  }
0x25: {  	[simem:s6], [sflag:s4] =	dma.local [hbm:s3], $0xF7A  }
0x26: {  	[smem:$0x3F97] =	sst s1;
	(tag) =	ssettag s2;
	_ =	strace s9  }
0x27: {  	s1 =	sld [smem:$0x3FA7]  }
0x28: {  	s2 =	sld [smem:$0x3FA8]  }
0x29: {  	s4 =	sld [smem:$0x3FAA]  }
0x2a: {  	p0 =	seq.s32 s5, $0x0;
	s5 =	sld [smem:$0x3FAB]  }
0x2b: {  	s6 =	sld [smem:$0x3FAC]  }
0x2c: {  	s7 =	sld [smem:$0x3FAD]  }
0x2d: {  	s3 =	simm.s32 $0x108;
	s8 =	sld [smem:$0x3FAE]  }
0x2e: {  	s3 =	simm.s32 @!p0 $0x1082;
	s9 =	sld [smem:$0x3FAF]  }
0x2f: {  	lr =	sadd.s32 s0, s3;
	s0 =	sld [smem:$0x3FA6]  }
0x30: {  	s3 =	sld [smem:$0x3FA9]  }
0x31: {  	[smem:$0x3FB2] =	sst s10  }
0x32: {  	s10 =	sld [smem:$0x3FB0];
	_ =	sdelay $0x3  }
0x33: {  	p0 =	seq.s32 s10, $0x1;
	s10 =	sld [smem:$0x3FB2];
	_ =	sdelay $0x3  }
0x34: {  	[smem:$0x3FB2] =	sst s10  }
0x35: {  	s10 =	sld [smem:$0x3FB1];
	_ =	sdelay $0x3  }
0x36: {  	p1 =	seq.s32 s10, $0x1;
	s10 =	sld [smem:$0x3FB2];
	_ =	sdelay $0x3  }
0x37: {  	[smem:$0x3FB2] =	sst s10  }
0x38: {  	s10 =	sld [smem:$0x3FB3]  }
0x39: {  	_ = 	snop;
	(pc) =	sbr.ind lr, $3  }
0x3a: {  	_ = 	snop  }
0x3b: {  	_ = 	snop  }
0x3c: {  	p2 =	seq.s32 s10, $0x1;
	s10 =	sld [smem:$0x3FB2]  }
0x3d: {  	_ =	shalt  }
0x3e: {  	_ =	shalt  }
0x3f: {  	_ =	shalt  }
0x40: {  	_ =	shalt  }
0x41: {  	_ =	shalt  }
0x42: {  	_ =	shalt  }
0x43: {  	_ =	shalt  }
0x44: {  	_ =	shalt  }
0x45: {  	_ =	shalt  }
0x46: {  	_ =	shalt  }
0x47: {  	_ =	shalt  }
0x48: {  	_ =	shalt  }
0x49: {  	_ =	shalt  }
0x4a: {  	_ =	shalt  }
0x4b: {  	_ =	shalt  }
0x4c: {  	_ =	shalt  }
0x4d: {  	_ =	shalt  }
0x4e: {  	_ =	shalt  }
0x4f: {  	_ =	shalt  }
0x50: {  	_ =	shalt  }
0x51: {  	_ =	shalt  }
0x52: {  	_ =	shalt  }
0x53: {  	_ =	shalt  }
0x54: {  	_ =	shalt  }
0x55: {  	_ =	shalt  }
0x56: {  	_ =	shalt  }
0x57: {  	_ =	shalt  }
0x58: {  	_ =	shalt  }
0x59: {  	_ =	shalt  }
0x5a: {  	_ =	shalt  }
0x5b: {  	_ =	shalt  }
0x5c: {  	_ =	shalt  }
0x5d: {  	_ =	shalt  }
0x5e: {  	_ =	shalt  }
0x5f: {  	_ =	shalt  }
0x60: {  	_ =	shalt  }
0x61: {  	_ =	shalt  }
0x62: {  	_ =	shalt  }
0x63: {  	_ =	shalt  }
0x64: {  	_ =	shalt  }
0x65: {  	_ =	shalt  }
0x66: {  	_ =	shalt  }
0x67: {  	_ =	shalt  }
0x68: {  	_ =	shalt  }
0x69: {  	_ =	shalt  }
0x6a: {  	_ =	shalt  }
0x6b: {  	_ =	shalt  }
0x6c: {  	_ =	shalt  }
0x6d: {  	_ =	shalt  }
0x6e: {  	_ =	shalt  }
0x6f: {  	_ =	shalt  }
0x70: {  	_ =	shalt  }
0x71: {  	_ =	shalt  }
0x72: {  	_ =	shalt  }
0x73: {  	_ =	shalt  }
0x74: {  	_ =	shalt  }
0x75: {  	_ =	shalt  }
0x76: {  	_ =	shalt  }
0x77: {  	_ =	shalt  }
0x78: {  	_ =	shalt  }
0x79: {  	_ =	shalt  }
0x7a: {  	_ =	shalt  }
0x7b: {  	_ =	shalt  }
0x7c: {  	_ =	shalt  }
0x7d: {  	_ =	shalt  }
0x7e: {  	_ =	shalt  }
0x7f: {  	_ =	shalt  }
0x80: {  	_ =	shalt  }
0x81: {  	_ =	shalt  }
0x82: {  	_ =	shalt  }
0x83: {  	_ =	shalt  }
0x84: {  	_ =	shalt  }
0x85: {  	_ =	shalt  }
0x86: {  	_ =	shalt  }
0x87: {  	_ =	shalt  }
.Lfunc_end0:
.L_simem_size_0:
called_computation_lowered:
.L_overlay_start_0:
0x88: {  	s2 =	sld [smem:$0x3FD9]  }
0x89: {  	s3 =	sld [smem:$0x3FFE];
	_ =	sdelay $0x1  }
0x8a: {  	s1 =	srdreg.scid  }
0x8b: {  	s0 =	sand.u32 $0x1, s1  }
0x8c: {  	s17 =	sshll.u32 s0, $0xA;
	s2 =	sadd.s32 s3, s2  }
0x8d: {  	s2 =	sadd.s32 s2, s17  }
0x8e: {  	[smem:$0x3FBE] =	sst s2  }
0x8f: {  	_ = 	snop  }
0x90: {  	s2 =	sld [smem:$0x3FD0];
	(tm) =	ssettm $0x1  }
0x91: {  	s18 =	sld [smem:$0x3FFB];
	_ =	sdelay $0x3  }
0x92: {  	_ =	strace s18  }
0x93: {  	s3 =	sld [smem:$0x3FFC];
	_ =	sdelay $0x3  }
0x94: {  	_ =	strace s3  }
0x95: {  	s3 =	sld [smem:$0x3FFD];
	_ =	sdelay $0x3  }
0x96: {  	_ =	strace s3  }
0x97: {  	_ =	strace $0x8FFFFFFF  }
0x98: {  	s19 =	sld [smem:$0x3FDB];
	_ =	sdelay $0x1  }
0x99: {  	s4 =	simm.s32 $_scs_section_size  }
0x9a: {  	s5 =	simm.s32 $_size__tile_overlayer_lowered;
	s6 =	simm.s32 $_tile_overlayer_lowered  }
0x9b: {  	s22 =	simm.s32 $0x1BFF;
	s21 =	sshll.u32 s6, $0x1;
	s3 =	sadd.s32 s4, s19  }
0x9c: {  	s7 =	simm.s32 $0x0;
	s20 =	sshll.u32 s5, $0x1;
	s5 =	sadd.s32 s21, s3  }
0x9d: {  	[timem:s7], [sflag:s22] =	dma.local [hbm:s5], s20  }
0x9e: {  	_ =	swait.ge [sflag:s22], s20  }
0x9f: {  	s4 =	ssub.s32 $0x0, s20;
	[sflag:s22] =	ssyncset.done $0x0  }
0xa0: {  	[sflag:s22] =	ssyncadd.s32 s4;
	_ =	sdelay $0x1  }
0xa1: {  	s23 =	simm.s32 $0x1B8B  }
0xa2: {  	_ =	swait.ge [sflag:s23], $0x1  }
0xa3: {  	[sflag:s23] =	ssyncset.done $0x0  }
0xa4: {  	s25 =	simm.s32 $0x1B8E;
	s24 =	sld [smem:$0x3FFE];
	[sflag:s23] =	ssyncadd.s32 $0xFFFFFFFF  }
0xa5: {  	s26 =	simm.s32 $execute0_lowered;
	[smem:$0x3FD2] =	sst s25  }
0xa6: {  	s5 =	sshll.u32 s26, $0x1;
	_ =	strace $0x80000046;
	[dreg:$0x1] =	wrdreg $0xFFFFFFFF  }
0xa7: {  	s28 =	simm.s32 $_size_execute0_lowered;
	s3 =	sadd.s32 s3, s5;
	[dreg:$0x0] =	wrdreg $0x0  }
0xa8: {  	s5 =	sshll.u32 s28, $0x1;
	[dreg:$0x2] =	wrdreg s3  }
0xa9: {  	[dreg:$0x3] =	wrdreg s5  }
0xaa: {  	[dreg:$0x4] =	wrdreg $0xC0  }
0xab: {  	_ =	task [dreg:s7], $0x5FFFF  }
0xac: {  	[dreg:$0x1] =	wrdreg $0xFFFFFFFF  }
0xad: {  	[dreg:$0x0] =	wrdreg $0x60  }
0xae: {  	[dreg:$0x2] =	wrdreg s24  }
0xaf: {  	[dreg:$0x3] =	wrdreg s2  }
0xb0: {  	[dreg:$0x4] =	wrdreg $0x0  }
0xb1: {  	[dreg:$0x5] =	wrdreg $0x9  }
0xb2: {  	_ =	task.clear_ibuf [dreg:s7], $0x6FFFF;
	_ =	strace $0x90000046  }
0xb3: {  	s29 =	simm.s32 $0x9;
	_ =	strace $0x80000048  }
0xb4: {  	_ =	swait.ge [sflag:s29], $0x1  }
0xb5: {  	[sflag:s29] =	ssyncadd.s32 $0xFFFFFFFF  }
0xb6: {  	_ =	strace $0x90000048  }
0xb7: {  	_ =	sfence  }
0xb8: {  	s30 =	sld [smem:$0x0];
	_ =	sdelay $0x2  }
0xb9: {  	s31 =	sshll.u32 s1, $0xD;
	s1 =	sshrl.u32 s1, $0x2  }
0xba: {  	s3 =	sand.u32 $0x4000, s31;
	s1 =	sadd.s32 s1, s30  }
0xbb: {  	s0 =	sor.u32 s3, s0;
	s1 =	sshll.u32 s1, $0x11  }
0xbc: {  	s0 =	sor.u32 s1, s0  }
0xbd: {  	s0 =	sadd.s32 $0x8F2B, s0  }
0xbe: {  	[sflag:s0] =	ssyncadd.remote.s32 $0x1  }
0xbf: {  	_ =	sfence.sel $0xFFFF  }
0xc0: {  	[dreg:$0x0] =	wrdreg $0xFFFFFFFF;
	(pc) =	sbr.abs _section_cstart, $3  }
0xc1: {  	[dreg:$0x1] =	wrdreg $0xFFFFFFFF  }
0xc2: {  	_ =	task.clear_ibuf [dreg:s7], $0x2FFFF;
	_ =	strace $0x9FFFFFFF  }
0xc3: {  	(tm) =	ssettm $0x7FFFFFFF  }
tec
execute0_lowered:
.L_overlay_start_1:
0x0: {  	(tag) =	ssettag $0x1  }
0x1: {  	s6 =	rddreg [dreg:$0x0]  }
0x2: {  	s2 =	rddreg [dreg:$0x1]  }
0x3: {  	s0 =	srdreg.scid;
	s3 =	rddreg [dreg:$0x2]  }
0x4: {  	s4 =	simm.s32 $0x0;
	s13 =	simm.s32 $0x3B10;
	s14 =	simm.s32 $0x50  }
0x5: {  	s15 =	simm.s32 $0x0;
	s5 =	sand.u32 $0x1, s0;
	s0 =	stileid.u32  }
0x6: {  	[smem:$0x7FF] =	sst s4;
	s1 =	sshll.u32 s5, $0x4;
	s8 =	smul.u32 $0x1400, s0  }
0x7: {  	s9 =	smul.u32 $0x14000, s5;
	s5 =	ssub.s32 $0x2, s5;
	s1 =	sor.u32 s0, s1  }
0x8: {  	s31 =	sshll.u32 s0, $0x6;
	s11 =	sshrl.u32 s5, $0x1;
	s7 =	smul.u32 $0x4E2, s1  }
0x9: {  	s1 =	rddreg [dreg:$0x3];
	_ =	strace $0x80000047;
	s10 =	sshrl.u32 s8, $0x3  }
0xa: {  	s9 =	sadd.s32 s8, s9;
	s11 =	ssub.s32 s5, s11;
	s12 =	sadd.s32 s8, s3  }
0xb: {  	s10 =	sadd.s32 s10, s6;
	s9 =	sshrl.u32 s9, $0x3;
	s7 =	sadd.s32 s7, s6  }
0xc: {  	s9 =	sadd.s32 s9, s6;
	s5 =	sadd.s32 $0x16600, s10;
	s6 =	sor.u32 $0x1C01, s31  }
0xd: {  	s10 =	sshrl.u32 s12, $0x3;
	s12 =	simm.s32 $0x1400;
	s7 =	sadd.s32 $0xC800, s7  }
0xe: {  	s8 =	sadd.s32 $0x18E00, s9;
	s9 =	smax.u32 s11, $0x1;
	s11 =	simm.s32 $0x1  }
.LBB2_1:
0xf: {  	[spmem:s10], [sflag:s6] =	dma.local [hbm:s5], $0x280  }
0x10: {  	_ =	swait.ge [sflag:s11], $0x280  }
0x11: {  	[sflag:s11] =	ssyncset.done $0x0  }
0x12: {  	[sflag:s11] =	ssyncadd.s32 $0xFFFFFD80  }
0x13: {  	[tilespmem:s12], [sflag:$0x1] =	stream.linear.gather [hbm4b:s7+s4], $0x2710, $0x38;
	[tilespmem:$0x3D90] =	vst v63  }
0x14: {  	_ =	swait.ge [sflag:s11], $0x2710  }
0x15: {  	[sflag:s11] =	ssyncset.done $0x0  }
0x16: {  	[sflag:s11] =	ssyncadd.s32 $0xFFFFD8F0  }
0x17: {  	[tilespmem:s13], [sflag:$0x1] =	stream.linear.gather [hbm4b:s2+s4], $0x280, $0x38;
	[tilespmem:$0x3D90] =	vst v63  }
0x18: {  	_ =	swait.ge [sflag:s11], $0x280  }
0x19: {  	[sflag:s11] =	ssyncset.done $0x0  }
0x1a: {  	[sflag:s11] =	ssyncadd.s32 $0xFFFFFD80  }
0x1b: {  	s16 =	simm.s32 $0x1400;
	[bflag:$0x0] =	sbarrier.arrive $0xFFFF  }
0x1c: {  	[spmem:s3] =	stream.indirect.scatter.add.f32 [tilespmem:s13], [sflag:$0x1], $0x8, s16, s14, $0xb8;
	[tilespmem:$0x3D90] =	vst v63  }
0x1d: {  	s16 =	simm.s32 $0x140;
	_ =	swait.ge [sflag:s11], $0x280  }
.LBB2_2:
0x1e: {  	s17 =	sshra.s32 s16, $0x2;
	[sflag:s11] =	ssyncset.done $0x0;
	p0 =	sne.s32 s16, $0x9B00  }
.Ltmp0:
0x1f: {  	s17 =	sadd.s32 $0x1400, s17;
	[sflag:s11] =	ssyncadd.s32 $0xFFFFFD80;
	(pc) =	sbr.rel @p0 .LBB2_2-.Ltmp0, $3  }
0x20: {  	[spmem:s3] =	stream.indirect.scatter.add.f32 [tilespmem:s13], [sflag:$0x1], $0x8, s17, s14, $0xb8;
	[tilespmem:$0x3D90] =	vst v63  }
0x21: {  	s16 =	sadd.s32 $0x140, s16;
	_ =	sdelay $0x1  }
0x22: {  	_ =	swait.ge [sflag:s11], $0x280  }
0x23: {  	[sflag:s11] =	ssyncset.done $0x0;
	s15 =	sadd.s32 $0x1, s15  }
0x24: {  	[sflag:s11] =	ssyncadd.s32 $0xFFFFFD80;
	p0 =	sne.s32 s15, s9  }
.Ltmp1:
0x25: {  	[bflag:$0x0] =	sbarrier.arrive $0xFFFF;
	(pc) =	sbr.rel @p0 .LBB2_1-.Ltmp1, $4  }
0x26: {  	[hbm:s8], [sflag:s6] =	dma.local [spmem:s10], $0x280  }
0x27: {  	_ =	swait.ge [sflag:s11], $0x280  }
0x28: {  	[sflag:s11] =	ssyncset.done $0x0  }
0x29: {  	[sflag:s11] =	ssyncadd.s32 $0xFFFFFD80  }
0x2a: {  	_ =	sfence.sel $0x180000  }
0x2b: {  	[bflag:$0x0] =	sbarrier.arrive $0xFFFF  }
0x2c: {  	p0 =	sne.s32 s0, $0x0;
	_ =	strace $0x90000047  }
0x2d: {  	s0 =	sadd.s32 @!p0 $0x100000, s1;
	[bflag:$0x2] =	sbarrier.arrive $0xFFFF  }
0x2e: {  	[sflag:s0] =	ssyncadd.tile.s32 @!p0 $0x1;
	_ =	shalt  }
.Lfunc_end2:
_tile_overlayer_lowered:
.L_overlay_start_2:
0x2f: {  	(tag) =	ssettag $0x2  }
0x30: {  	s0 =	rddreg [dreg:$0x0];
	s2 =	stileid.u32  }
0x31: {  	s1 =	rddreg [dreg:$0x1];
	p0 =	sne.s32 s2, $0x0  }
0x32: {  	s3 =	rddreg [dreg:$0x2];
	[bflag:$0x3] =	sbarrier.arrive $0xFFFF;
	s2 =	simm.s32 @!p0 $0x1C01  }
0x33: {  	[timem:s3], [sflag:s2] =	dma.local @!p0 [hbm:s0], s1  }
0x34: {  	s0 =	simm.s32 @!p0 $0x1  }
0x35: {  	_ =	swait.ge @!p0 [sflag:s0], s1  }
0x36: {  	s1 =	ssub.s32 @!p0 $0x0, s1;
	[sflag:s0] =	ssyncset.done @!p0 $0x0  }
0x37: {  	[sflag:s0] =	ssyncadd.s32 @!p0 s1  }
0x38: {  	[bflag:$0x3] =	sbarrier.arrive $0xFFFF  }
0x39: {  	_ =	shalt  }

</sc_bundles>
